<compile_context>
chip_gen: v7x
topology: tpu7x:2x2x1
jax: 0.10.2.dev20260603
libtpu: 0.0.44.dev20260713+nightly
codegen_flags: <defaults>
</compile_context>

<pallas_src>
import functools

import jax
import jax.numpy as jnp
from jax import lax
from jax.experimental import pallas as pl
from jax.experimental.pallas import tpu as pltpu
from jax.experimental.pallas import tpu_sc as plsc

_LANES = 16
_NBUF = 2
_BLOCK_ROWS = 128


def _build_gather(n_rows, n_pos, d, n_workers):
    assert n_rows % (n_workers * _BLOCK_ROWS) == 0
    rows_per_worker = n_rows // n_workers
    blocks_per_worker = rows_per_worker // _BLOCK_ROWS
    block_elems = _BLOCK_ROWS * d
    groups_per_block = _BLOCK_ROWS // _LANES

    mesh = plsc.VectorSubcoreMesh(core_axis_name="c", subcore_axis_name="s")

    @functools.partial(
        pl.kernel,
        mesh=mesh,
        compiler_params=pltpu.CompilerParams(needs_layout_passes=False),
        out_type=jax.ShapeDtypeStruct((n_rows * d,), jnp.float32),
        scratch_types=[
            pltpu.VMEM((rows_per_worker + _LANES,), jnp.int32),
            pltpu.VMEM((n_pos * d,), jnp.float32),
        ]
        + [pltpu.VMEM((block_elems,), jnp.float32) for _ in range(_NBUF)]
        + [pltpu.SemaphoreType.DMA for _ in range(_NBUF)],
    )
    def gather_kernel(idx_hbm, pattern_hbm, out_hbm, idx_v, tbl_v, *bufs_and_sems):
        rows = bufs_and_sems[:_NBUF]
        ssem = bufs_and_sems[_NBUF : 2 * _NBUF]
        num_cores = lax.axis_size("c")
        wid = lax.axis_index("s") * num_cores + lax.axis_index("c")

        pltpu.sync_copy(pattern_hbm, tbl_v)
        pltpu.sync_copy(
            idx_hbm.at[pl.ds(wid * rows_per_worker, rows_per_worker)],
            idx_v.at[pl.ds(0, rows_per_worker)],
        )

        @plsc.parallel_loop(0, rows_per_worker // _LANES, unroll=4)
        def _mod_body(r):
            sl = pl.ds(r * _LANES, _LANES)
            idx_v[sl] = lax.rem(idx_v[sl], n_pos) * d

        out_base = wid * rows_per_worker
        iota = lax.iota(jnp.int32, _LANES)
        lane0 = jnp.zeros((_LANES,), jnp.int32)
        tbl_slices = [
            tbl_v.at[pl.ds(c8 * _LANES, n_pos * d - c8 * _LANES)]
            for c8 in range(d // _LANES)
        ]

        def materialize(j, buf):
            @plsc.parallel_loop(0, _BLOCK_ROWS, unroll=4)
            def _row_body(r):
                iv16 = idx_v[pl.ds(j * _BLOCK_ROWS + r, _LANES)]
                rb = jnp.take_along_axis(iv16, lane0, axis=0)
                rbio = rb + iota
                gs = [
                    plsc.load_gather(tbl_slices[c8], [rbio])
                    for c8 in range(d // _LANES)
                ]
                for c8 in range(d // _LANES):
                    buf[pl.ds(r * d + c8 * _LANES, _LANES)] = gs[c8]

        def scatter_copy(j, b):
            dst = out_hbm.at[pl.ds((out_base + j * _BLOCK_ROWS) * d, block_elems)]
            return pltpu.make_async_copy(rows[b], dst, ssem[b])

        def ring_body(g, carry):
            for b in range(_NBUF):
                j = g * _NBUF + b

                @pl.when(j >= _NBUF)
                def _():
                    scatter_copy(j - _NBUF, b).wait()

                materialize(j, rows[b])
                scatter_copy(j, b).start()
            return carry

        lax.fori_loop(0, blocks_per_worker // _NBUF, ring_body, 0)

        for t in range(blocks_per_worker - _NBUF, blocks_per_worker):
            scatter_copy(t, t % _NBUF).wait()

    return gather_kernel


def kernel(rec_current, visited_time, pattern):
    b, s = rec_current.shape
    n_pos, d = pattern.shape
    n_rows = b * s
    gather = _build_gather(n_rows, n_pos, d, n_workers=32)
    out = gather(visited_time.reshape(n_rows), pattern.reshape(n_pos * d))
    return out.reshape(b, s, d)

# --- scband reference (transcript-rebuilt; emitter-appended) ---
"""Pipeline reference for scband-cyclic-positional-embedding-46875273068986 (READ-ONLY COPY).

The authoritative reference and input builder live on the scoring server;
editing this copy changes nothing except your own understanding.
"""

import jax, jax.numpy as jnp
import numpy as np


def _basesin(x, T, fai=0.0):
    return np.sin(2 * np.pi / T * np.abs(np.mod(x, 2 * T) - T) + fai)


def _basecos(x, T, fai=0.0):
    return np.cos(2 * np.pi / T * np.abs(np.mod(x, 2 * T) - T) + fai)


def _init_pattern(n_position, emb_dim, mean_pooling=True):
    Td_set = np.linspace(np.power(n_position, 1 / (emb_dim // 2)), n_position, emb_dim // 2, dtype='int')
    x = np.zeros((n_position, emb_dim))
    for i in range(emb_dim):
        Td = Td_set[i // 3 * 3 + 1] if i // 3 * 3 + 1 < emb_dim // 2 else Td_set[-1]
        fai = 0 if i <= emb_dim // 2 else 2 * np.pi * ((-i + emb_dim // 2) / (emb_dim // 2))
        longer_pattern = np.arange(0, np.ceil(n_position / Td) * Td, 0.01)
        sel = np.linspace(0, len(longer_pattern), n_position, dtype='int', endpoint=False)
        if i % 2 == 1:
            x[:, i] = _basecos(longer_pattern, Td, fai)[sel]
        else:
            x[:, i] = _basesin(longer_pattern, Td, fai)[sel]
    pattern = x.astype(np.float32)
    pattern_sum = np.zeros_like(pattern)
    arange = np.arange(n_position)
    pooling = [-2, -1, 0, 1, 2] if mean_pooling else [0]
    time = 0
    for i in pooling:
        time += 1
        index = (arange + i + n_position) % n_position
        pattern_sum += pattern[index]
    pattern = 1.0 / time * pattern_sum - pattern.mean(0, keepdims=True)
    return jnp.asarray(pattern, dtype=jnp.float32)


def setup_inputs(seed: int = 0) -> dict:
    key = jax.random.key(seed)
    B, S, D = 1024, 200, 128
    k1, k2 = jax.random.split(key)
    rec_current = jax.random.normal(k1, (B, S), dtype=jnp.float32)
    visited_time = jax.random.randint(k2, (B, S), 0, S, dtype=jnp.int32)
    pattern = _init_pattern(S, D, mean_pooling=True)
    return {"rec_current": rec_current, "visited_time": visited_time, "pattern": pattern}


def reference(rec_current, visited_time, pattern):
    # torch.gather(batch_vector, 1, index) with index expanded over embed dim
    # is exactly a row-gather from the (replicated) pattern table.
    B, S = rec_current.shape
    idx = jnp.mod(visited_time, S).astype(jnp.int32)  # [B, S]
    out = jnp.take(pattern, idx, axis=0)  # [B, S, D]
    return out

if __name__ == "__main__":
    import jax
    _d = setup_inputs()
    print(jax.jit(kernel)(*tuple(_d.values())))

</pallas_src>

<mosaic_0001>
#map = affine_map<(d0, d1) -> (0)>
module attributes {stable_mosaic.version = 14 : i64} {
  func.func @gather_kernel(%arg0: i32, %arg1: i32, %arg2: memref<204800xi32, #tpu.memory_space<hbm>>, %arg3: memref<25600xf32, #tpu.memory_space<hbm>>, %arg4: memref<26214400xf32, #tpu.memory_space<hbm>>, %arg5: memref<6416xi32, #tpu.memory_space<vmem>>, %arg6: memref<25600xf32, #tpu.memory_space<vmem>>, %arg7: memref<16384xf32, #tpu.memory_space<vmem>>, %arg8: memref<16384xf32, #tpu.memory_space<vmem>>, %arg9: memref<!tpu.dma_semaphore, #tpu.memory_space<semaphore_mem>>, %arg10: memref<!tpu.dma_semaphore, #tpu.memory_space<semaphore_mem>>) attributes {dimension_semantics = [#tpu.dimension_semantics<core_parallel>, #tpu.dimension_semantics<subcore_parallel>], iteration_bounds = array<i64: 2, 16>, scalar_prefetch = 0 : i64, scratch_operands = 6 : i64, tpu.core_type = #tpu.core_type<sc_vector_subcore>, window_params = [{transform_indices = #map}, {transform_indices = #map}, {transform_indices = #map}]} {
    %mul3A = arith.constant 2 : i32
    %mul3A_0 = arith.muli %arg1, %mul3A : i32
    %add3A = arith.addi %mul3A_0, %arg0 : i32
    "tpu.region"() ({
      %run_scoped3A = tpu.sem_alloc : memref<!tpu.dma_semaphore, #tpu.memory_space<semaphore_mem>>
      tpu.enqueue_dma source(%arg3 : memref<25600xf32, #tpu.memory_space<hbm>>) target(%arg6 : memref<25600xf32, #tpu.memory_space<vmem>>) target_semaphore(%run_scoped3A : memref<!tpu.dma_semaphore, #tpu.memory_space<semaphore_mem>>)
      tpu.wait_dma2 semaphore(%run_scoped3A : memref<!tpu.dma_semaphore, #tpu.memory_space<semaphore_mem>>) src(%arg3 : memref<25600xf32, #tpu.memory_space<hbm>>) dst(%arg6 : memref<25600xf32, #tpu.memory_space<vmem>>)
      tpu.yield
    }) : () -> ()
    %mul3A_1 = arith.constant 6400 : i32
    %mul3A_2 = arith.muli %add3A, %mul3A_1 : i32
    "tpu.region"() ({
      %run_scoped3A = tpu.sem_alloc : memref<!tpu.dma_semaphore, #tpu.memory_space<semaphore_mem>>
      %dma_start3A = arith.constant 0 : i32
      %dma_start3A_24 = tpu.memref_slice %arg5[%dma_start3A] : memref<6416xi32, #tpu.memory_space<vmem>> -> memref<6400xi32, #tpu.memory_space<vmem>>
      %dma_start3A_25 = tpu.memref_slice %arg2[%mul3A_2] : memref<204800xi32, #tpu.memory_space<hbm>> -> memref<6400xi32, #tpu.memory_space<hbm>>
      %dma_start3A_26 = arith.constant 0 : i32
      %dma_start3A_27 = tpu.memref_slice %arg5[%dma_start3A_26] : memref<6416xi32, #tpu.memory_space<vmem>> -> memref<6400xi32, #tpu.memory_space<vmem>>
      %dma_start3A_28 = tpu.memref_slice %arg2[%mul3A_2] : memref<204800xi32, #tpu.memory_space<hbm>> -> memref<6400xi32, #tpu.memory_space<hbm>>
      tpu.enqueue_dma source(%dma_start3A_28 : memref<6400xi32, #tpu.memory_space<hbm>>) target(%dma_start3A_27 : memref<6400xi32, #tpu.memory_space<vmem>>) target_semaphore(%run_scoped3A : memref<!tpu.dma_semaphore, #tpu.memory_space<semaphore_mem>>)
      %dma_wait3A_29 = arith.constant 0 : i32
      %dma_wait3A_30 = tpu.memref_slice %arg5[%dma_wait3A_29] : memref<6416xi32, #tpu.memory_space<vmem>> -> memref<6400xi32, #tpu.memory_space<vmem>>
      %dma_wait3A_31 = tpu.memref_slice %arg2[%mul3A_2] : memref<204800xi32, #tpu.memory_space<hbm>> -> memref<6400xi32, #tpu.memory_space<hbm>>
      %dma_wait3A_32 = arith.constant 0 : i32
      %dma_wait3A_33 = tpu.memref_slice %arg5[%dma_wait3A_32] : memref<6416xi32, #tpu.memory_space<vmem>> -> memref<6400xi32, #tpu.memory_space<vmem>>
      %dma_wait3A_34 = tpu.memref_slice %arg2[%mul3A_2] : memref<204800xi32, #tpu.memory_space<hbm>> -> memref<6400xi32, #tpu.memory_space<hbm>>
      tpu.wait_dma2 semaphore(%run_scoped3A : memref<!tpu.dma_semaphore, #tpu.memory_space<semaphore_mem>>) src(%dma_wait3A_34 : memref<6400xi32, #tpu.memory_space<hbm>>) dst(%dma_wait3A_33 : memref<6400xi32, #tpu.memory_space<vmem>>)
      tpu.yield
    }) : () -> ()
    %parallel_loop3A = arith.constant 0 : i32
    %parallel_loop3A_3 = arith.constant 400 : i32
    %parallel_loop3A_4 = arith.constant 1 : i32
    scf.for %parallel_loop3A_24 = %parallel_loop3A to %parallel_loop3A_3 step %parallel_loop3A_4  : i32 {
      %parallel_loop3A_25 = arith.constant 16 : i32
      %parallel_loop3A_26 = arith.muli %parallel_loop3A_24, %parallel_loop3A_25 : i32
      %parallel_loop3A_27 = arith.index_cast %parallel_loop3A_26 : i32 to index
      %parallel_loop3A_28 = tpu.vector_load %arg5[%parallel_loop3A_27] {strides = array<i32>} : memref<6416xi32, #tpu.memory_space<vmem>>, vector<16xi32>,
      %parallel_loop3A_29 = arith.constant 200 : i32
      %parallel_loop3A_30 = vector.broadcast %parallel_loop3A_29 : i32 to vector<16xi32>
      %parallel_loop3A_31 = arith.remsi %parallel_loop3A_28, %parallel_loop3A_30 : vector<16xi32>
      %parallel_loop3A_32 = arith.constant 128 : i32
      %parallel_loop3A_33 = vector.broadcast %parallel_loop3A_32 : i32 to vector<16xi32>
      %parallel_loop3A_34 = arith.muli %parallel_loop3A_31, %parallel_loop3A_33 : vector<16xi32>
      %parallel_loop3A_35 = arith.index_cast %parallel_loop3A_26 : i32 to index
      %parallel_loop3A_36 = tpu.vector_load %arg5[%parallel_loop3A_35] {strides = array<i32>} : memref<6416xi32, #tpu.memory_space<vmem>>, vector<16xi32>,
      tpu.vector_store %arg5[%parallel_loop3A_35], %parallel_loop3A_34 {strides = array<i32>} : memref<6416xi32, #tpu.memory_space<vmem>>, vector<16xi32>,
    } {sc.loop_unroll_factor = 4 : i64, sc.parallel_access}
    %mul3A_5 = arith.constant 6400 : i32
    %mul3A_6 = arith.muli %add3A, %mul3A_5 : i32
    %iota3A = tpu.iota {dimensions = array<i32: 0>} : vector<16xi32>
    %broadcast_in_dim3A = arith.constant 0 : i32
    %broadcast_in_dim3A_7 = vector.broadcast %broadcast_in_dim3A : i32 to vector<16xi32>
    %scan3A = arith.constant 0 : i32
    %scan3A_8 = arith.constant 0 : i32
    %scan3A_9 = arith.constant 25 : i32
    %scan3A_10 = arith.addi %scan3A_8, %scan3A_9 : i32
    %scan3A_11 = arith.constant 1 : i32
    scf.for %scan3A_24 = %scan3A_8 to %scan3A_10 step %scan3A_11  : i32 {
      %mul3A_25 = arith.constant 2 : i32
      %mul3A_26 = arith.muli %scan3A_24, %mul3A_25 : i32
      %add3A_27 = arith.constant 0 : i32
      %add3A_28 = arith.addi %mul3A_26, %add3A_27 : i32
      %ge3A = arith.constant 2 : i32
      %ge3A_29 = arith.cmpi sge, %add3A_28, %ge3A : i32
      %convert_element_type3A = arith.extui %ge3A_29 : i1 to i32
      %cond3A = arith.constant 0 : i32
      %cond3A_30 = arith.cmpi ne, %convert_element_type3A, %cond3A : i32
      scf.if %cond3A_30 {
        %sub3A = arith.constant 2 : i32
        %sub3A_59 = arith.subi %add3A_28, %sub3A : i32
        %mul3A_60 = arith.constant 128 : i32
        %mul3A_61 = arith.muli %sub3A_59, %mul3A_60 : i32
        %add3A_62 = arith.addi %mul3A_6, %mul3A_61 : i32
        %mul3A_63 = arith.constant 128 : i32
        %mul3A_64 = arith.muli %add3A_62, %mul3A_63 : i32
        %dma_wait3A_65 = tpu.memref_slice %arg4[%mul3A_64] : memref<26214400xf32, #tpu.memory_space<hbm>> -> memref<16384xf32, #tpu.memory_space<hbm>>
        %dma_wait3A_66 = tpu.memref_slice %arg4[%mul3A_64] : memref<26214400xf32, #tpu.memory_space<hbm>> -> memref<16384xf32, #tpu.memory_space<hbm>>
        tpu.wait_dma2 semaphore(%arg9 : memref<!tpu.dma_semaphore, #tpu.memory_space<semaphore_mem>>) src(%arg7 : memref<16384xf32, #tpu.memory_space<vmem>>) dst(%dma_wait3A_66 : memref<16384xf32, #tpu.memory_space<hbm>>)
      } else {
      }
      %parallel_loop3A_31 = arith.constant 0 : i32
      %parallel_loop3A_32 = arith.constant 128 : i32
      %parallel_loop3A_33 = arith.constant 1 : i32
      scf.for %parallel_loop3A_59 = %parallel_loop3A_31 to %parallel_loop3A_32 step %parallel_loop3A_33  : i32 {
        %parallel_loop3A_60 = arith.constant 128 : i32
        %parallel_loop3A_61 = arith.muli %add3A_28, %parallel_loop3A_60 : i32
        %parallel_loop3A_62 = arith.addi %parallel_loop3A_61, %parallel_loop3A_59 : i32
        %parallel_loop3A_63 = arith.index_cast %parallel_loop3A_62 : i32 to index
        %parallel_loop3A_64 = tpu.vector_load %arg5[%parallel_loop3A_63] {strides = array<i32>} : memref<6416xi32, #tpu.memory_space<vmem>>, vector<16xi32>,
        %parallel_loop3A_65 = arith.constant 0 : i32
        %parallel_loop3A_66 = vector.broadcast %parallel_loop3A_65 : i32 to vector<16xi32>
        %parallel_loop3A_67 = arith.cmpi slt, %broadcast_in_dim3A_7, %parallel_loop3A_66 : vector<16xi32>
        %parallel_loop3A_68 = arith.constant 16 : i32
        %parallel_loop3A_69 = vector.broadcast %parallel_loop3A_68 : i32 to vector<16xi32>
        %parallel_loop3A_70 = arith.addi %broadcast_in_dim3A_7, %parallel_loop3A_69 : vector<16xi32>
        %parallel_loop3A_71 = arith.select %parallel_loop3A_67, %parallel_loop3A_70, %broadcast_in_dim3A_7 : vector<16xi1>, vector<16xi32>
        %parallel_loop3A_72 = vector.shape_cast %parallel_loop3A_71 : vector<16xi32> to vector<16x1xi32>
        %parallel_loop3A_73 = vector.shape_cast %parallel_loop3A_72 : vector<16x1xi32> to vector<16xi32>
        %parallel_loop3A_74 = tpu.dynamic_gather %parallel_loop3A_64[%parallel_loop3A_73] in [0] : vector<16xi32>, vector<16xi32> -> vector<16xi32>
        %parallel_loop3A_75 = arith.addi %parallel_loop3A_74, %iota3A : vector<16xi32>
        %parallel_loop3A_76 = arith.constant 0 : i32
        %parallel_loop3A_77 = tpu.memref_slice %arg6[%parallel_loop3A_76] : memref<25600xf32, #tpu.memory_space<vmem>> -> memref<25600xf32, #tpu.memory_space<vmem>>
        %parallel_loop3A_78 = tpu.vector_load_idx %parallel_loop3A_77[%parallel_loop3A_75] : memref<25600xf32, #tpu.memory_space<vmem>>[vector<16xi32>], vector<16xf32>,
        %parallel_loop3A_79 = arith.constant 16 : i32
        %parallel_loop3A_80 = tpu.memref_slice %arg6[%parallel_loop3A_79] : memref<25600xf32, #tpu.memory_space<vmem>> -> memref<25584xf32, #tpu.memory_space<vmem>>
        %parallel_loop3A_81 = tpu.vector_load_idx %parallel_loop3A_80[%parallel_loop3A_75] : memref<25584xf32, #tpu.memory_space<vmem>>[vector<16xi32>], vector<16xf32>,
        %parallel_loop3A_82 = arith.constant 32 : i32
        %parallel_loop3A_83 = tpu.memref_slice %arg6[%parallel_loop3A_82] : memref<25600xf32, #tpu.memory_space<vmem>> -> memref<25568xf32, #tpu.memory_space<vmem>>
        %parallel_loop3A_84 = tpu.vector_load_idx %parallel_loop3A_83[%parallel_loop3A_75] : memref<25568xf32, #tpu.memory_space<vmem>>[vector<16xi32>], vector<16xf32>,
        %parallel_loop3A_85 = arith.constant 48 : i32
        %parallel_loop3A_86 = tpu.memref_slice %arg6[%parallel_loop3A_85] : memref<25600xf32, #tpu.memory_space<vmem>> -> memref<25552xf32, #tpu.memory_space<vmem>>
        %parallel_loop3A_87 = tpu.vector_load_idx %parallel_loop3A_86[%parallel_loop3A_75] : memref<25552xf32, #tpu.memory_space<vmem>>[vector<16xi32>], vector<16xf32>,
        %parallel_loop3A_88 = arith.constant 64 : i32
        %parallel_loop3A_89 = tpu.memref_slice %arg6[%parallel_loop3A_88] : memref<25600xf32, #tpu.memory_space<vmem>> -> memref<25536xf32, #tpu.memory_space<vmem>>
        %parallel_loop3A_90 = tpu.vector_load_idx %parallel_loop3A_89[%parallel_loop3A_75] : memref<25536xf32, #tpu.memory_space<vmem>>[vector<16xi32>], vector<16xf32>,
        %parallel_loop3A_91 = arith.constant 80 : i32
        %parallel_loop3A_92 = tpu.memref_slice %arg6[%parallel_loop3A_91] : memref<25600xf32, #tpu.memory_space<vmem>> -> memref<25520xf32, #tpu.memory_space<vmem>>
        %parallel_loop3A_93 = tpu.vector_load_idx %parallel_loop3A_92[%parallel_loop3A_75] : memref<25520xf32, #tpu.memory_space<vmem>>[vector<16xi32>], vector<16xf32>,
        %parallel_loop3A_94 = arith.constant 96 : i32
        %parallel_loop3A_95 = tpu.memref_slice %arg6[%parallel_loop3A_94] : memref<25600xf32, #tpu.memory_space<vmem>> -> memref<25504xf32, #tpu.memory_space<vmem>>
        %parallel_loop3A_96 = tpu.vector_load_idx %parallel_loop3A_95[%parallel_loop3A_75] : memref<25504xf32, #tpu.memory_space<vmem>>[vector<16xi32>], vector<16xf32>,
        %parallel_loop3A_97 = arith.constant 112 : i32
        %parallel_loop3A_98 = tpu.memref_slice %arg6[%parallel_loop3A_97] : memref<25600xf32, #tpu.memory_space<vmem>> -> memref<25488xf32, #tpu.memory_space<vmem>>
        %parallel_loop3A_99 = tpu.vector_load_idx %parallel_loop3A_98[%parallel_loop3A_75] : memref<25488xf32, #tpu.memory_space<vmem>>[vector<16xi32>], vector<16xf32>,
        %parallel_loop3A_100 = arith.constant 128 : i32
        %parallel_loop3A_101 = arith.muli %parallel_loop3A_59, %parallel_loop3A_100 : i32
        %parallel_loop3A_102 = arith.constant 0 : i32
        %parallel_loop3A_103 = arith.addi %parallel_loop3A_101, %parallel_loop3A_102 : i32
        %parallel_loop3A_104 = arith.index_cast %parallel_loop3A_103 : i32 to index
        %parallel_loop3A_105 = tpu.vector_load %arg7[%parallel_loop3A_104] {strides = array<i32>} : memref<16384xf32, #tpu.memory_space<vmem>>, vector<16xf32>,
        tpu.vector_store %arg7[%parallel_loop3A_104], %parallel_loop3A_78 {strides = array<i32>} : memref<16384xf32, #tpu.memory_space<vmem>>, vector<16xf32>,
        %parallel_loop3A_106 = arith.constant 128 : i32
        %parallel_loop3A_107 = arith.muli %parallel_loop3A_59, %parallel_loop3A_106 : i32
        %parallel_loop3A_108 = arith.constant 16 : i32
        %parallel_loop3A_109 = arith.addi %parallel_loop3A_107, %parallel_loop3A_108 : i32
        %parallel_loop3A_110 = arith.index_cast %parallel_loop3A_109 : i32 to index
        %parallel_loop3A_111 = tpu.vector_load %arg7[%parallel_loop3A_110] {strides = array<i32>} : memref<16384xf32, #tpu.memory_space<vmem>>, vector<16xf32>,
        tpu.vector_store %arg7[%parallel_loop3A_110], %parallel_loop3A_81 {strides = array<i32>} : memref<16384xf32, #tpu.memory_space<vmem>>, vector<16xf32>,
        %parallel_loop3A_112 = arith.constant 128 : i32
        %parallel_loop3A_113 = arith.muli %parallel_loop3A_59, %parallel_loop3A_112 : i32
        %parallel_loop3A_114 = arith.constant 32 : i32
        %parallel_loop3A_115 = arith.addi %parallel_loop3A_113, %parallel_loop3A_114 : i32
        %parallel_loop3A_116 = arith.index_cast %parallel_loop3A_115 : i32 to index
        %parallel_loop3A_117 = tpu.vector_load %arg7[%parallel_loop3A_116] {strides = array<i32>} : memref<16384xf32, #tpu.memory_space<vmem>>, vector<16xf32>,
        tpu.vector_store %arg7[%parallel_loop3A_116], %parallel_loop3A_84 {strides = array<i32>} : memref<16384xf32, #tpu.memory_space<vmem>>, vector<16xf32>,
        %parallel_loop3A_118 = arith.constant 128 : i32
        %parallel_loop3A_119 = arith.muli %parallel_loop3A_59, %parallel_loop3A_118 : i32
        %parallel_loop3A_120 = arith.constant 48 : i32
        %parallel_loop3A_121 = arith.addi %parallel_loop3A_119, %parallel_loop3A_120 : i32
        %parallel_loop3A_122 = arith.index_cast %parallel_loop3A_121 : i32 to index
        %parallel_loop3A_123 = tpu.vector_load %arg7[%parallel_loop3A_122] {strides = array<i32>} : memref<16384xf32, #tpu.memory_space<vmem>>, vector<16xf32>,
        tpu.vector_store %arg7[%parallel_loop3A_122], %parallel_loop3A_87 {strides = array<i32>} : memref<16384xf32, #tpu.memory_space<vmem>>, vector<16xf32>,
        %parallel_loop3A_124 = arith.constant 128 : i32
        %parallel_loop3A_125 = arith.muli %parallel_loop3A_59, %parallel_loop3A_124 : i32
        %parallel_loop3A_126 = arith.constant 64 : i32
        %parallel_loop3A_127 = arith.addi %parallel_loop3A_125, %parallel_loop3A_126 : i32
        %parallel_loop3A_128 = arith.index_cast %parallel_loop3A_127 : i32 to index
        %parallel_loop3A_129 = tpu.vector_load %arg7[%parallel_loop3A_128] {strides = array<i32>} : memref<16384xf32, #tpu.memory_space<vmem>>, vector<16xf32>,
        tpu.vector_store %arg7[%parallel_loop3A_128], %parallel_loop3A_90 {strides = array<i32>} : memref<16384xf32, #tpu.memory_space<vmem>>, vector<16xf32>,
        %parallel_loop3A_130 = arith.constant 128 : i32
        %parallel_loop3A_131 = arith.muli %parallel_loop3A_59, %parallel_loop3A_130 : i32
        %parallel_loop3A_132 = arith.constant 80 : i32
        %parallel_loop3A_133 = arith.addi %parallel_loop3A_131, %parallel_loop3A_132 : i32
        %parallel_loop3A_134 = arith.index_cast %parallel_loop3A_133 : i32 to index
        %parallel_loop3A_135 = tpu.vector_load %arg7[%parallel_loop3A_134] {strides = array<i32>} : memref<16384xf32, #tpu.memory_space<vmem>>, vector<16xf32>,
        tpu.vector_store %arg7[%parallel_loop3A_134], %parallel_loop3A_93 {strides = array<i32>} : memref<16384xf32, #tpu.memory_space<vmem>>, vector<16xf32>,
        %parallel_loop3A_136 = arith.constant 128 : i32
        %parallel_loop3A_137 = arith.muli %parallel_loop3A_59, %parallel_loop3A_136 : i32
        %parallel_loop3A_138 = arith.constant 96 : i32
        %parallel_loop3A_139 = arith.addi %parallel_loop3A_137, %parallel_loop3A_138 : i32
        %parallel_loop3A_140 = arith.index_cast %parallel_loop3A_139 : i32 to index
        %parallel_loop3A_141 = tpu.vector_load %arg7[%parallel_loop3A_140] {strides = array<i32>} : memref<16384xf32, #tpu.memory_space<vmem>>, vector<16xf32>,
        tpu.vector_store %arg7[%parallel_loop3A_140], %parallel_loop3A_96 {strides = array<i32>} : memref<16384xf32, #tpu.memory_space<vmem>>, vector<16xf32>,
        %parallel_loop3A_142 = arith.constant 128 : i32
        %parallel_loop3A_143 = arith.muli %parallel_loop3A_59, %parallel_loop3A_142 : i32
        %parallel_loop3A_144 = arith.constant 112 : i32
        %parallel_loop3A_145 = arith.addi %parallel_loop3A_143, %parallel_loop3A_144 : i32
        %parallel_loop3A_146 = arith.index_cast %parallel_loop3A_145 : i32 to index
        %parallel_loop3A_147 = tpu.vector_load %arg7[%parallel_loop3A_146] {strides = array<i32>} : memref<16384xf32, #tpu.memory_space<vmem>>, vector<16xf32>,
        tpu.vector_store %arg7[%parallel_loop3A_146], %parallel_loop3A_99 {strides = array<i32>} : memref<16384xf32, #tpu.memory_space<vmem>>, vector<16xf32>,
      } {sc.loop_unroll_factor = 4 : i64, sc.parallel_access}
      %mul3A_34 = arith.constant 128 : i32
      %mul3A_35 = arith.muli %add3A_28, %mul3A_34 : i32
      %add3A_36 = arith.addi %mul3A_6, %mul3A_35 : i32
      %mul3A_37 = arith.constant 128 : i32
      %mul3A_38 = arith.muli %add3A_36, %mul3A_37 : i32
      %dma_start3A = tpu.memref_slice %arg4[%mul3A_38] : memref<26214400xf32, #tpu.memory_space<hbm>> -> memref<16384xf32, #tpu.memory_space<hbm>>
      %dma_start3A_39 = tpu.memref_slice %arg4[%mul3A_38] : memref<26214400xf32, #tpu.memory_space<hbm>> -> memref<16384xf32, #tpu.memory_space<hbm>>
      tpu.enqueue_dma source(%arg7 : memref<16384xf32, #tpu.memory_space<vmem>>) target(%dma_start3A_39 : memref<16384xf32, #tpu.memory_space<hbm>>) target_semaphore(%arg9 : memref<!tpu.dma_semaphore, #tpu.memory_space<semaphore_mem>>)
      %mul3A_40 = arith.constant 2 : i32
      %mul3A_41 = arith.muli %scan3A_24, %mul3A_40 : i32
      %add3A_42 = arith.constant 1 : i32
      %add3A_43 = arith.addi %mul3A_41, %add3A_42 : i32
      %ge3A_44 = arith.constant 2 : i32
      %ge3A_45 = arith.cmpi sge, %add3A_43, %ge3A_44 : i32
      %convert_element_type3A_46 = arith.extui %ge3A_45 : i1 to i32
      %cond3A_47 = arith.constant 0 : i32
      %cond3A_48 = arith.cmpi ne, %convert_element_type3A_46, %cond3A_47 : i32
      scf.if %cond3A_48 {
        %sub3A = arith.constant 2 : i32
        %sub3A_59 = arith.subi %add3A_43, %sub3A : i32
        %mul3A_60 = arith.constant 128 : i32
        %mul3A_61 = arith.muli %sub3A_59, %mul3A_60 : i32
        %add3A_62 = arith.addi %mul3A_6, %mul3A_61 : i32
        %mul3A_63 = arith.constant 128 : i32
        %mul3A_64 = arith.muli %add3A_62, %mul3A_63 : i32
        %dma_wait3A_65 = tpu.memref_slice %arg4[%mul3A_64] : memref<26214400xf32, #tpu.memory_space<hbm>> -> memref<16384xf32, #tpu.memory_space<hbm>>
        %dma_wait3A_66 = tpu.memref_slice %arg4[%mul3A_64] : memref<26214400xf32, #tpu.memory_space<hbm>> -> memref<16384xf32, #tpu.memory_space<hbm>>
        tpu.wait_dma2 semaphore(%arg10 : memref<!tpu.dma_semaphore, #tpu.memory_space<semaphore_mem>>) src(%arg8 : memref<16384xf32, #tpu.memory_space<vmem>>) dst(%dma_wait3A_66 : memref<16384xf32, #tpu.memory_space<hbm>>)
      } else {
      }
      %parallel_loop3A_49 = arith.constant 0 : i32
      %parallel_loop3A_50 = arith.constant 128 : i32
      %parallel_loop3A_51 = arith.constant 1 : i32
      scf.for %parallel_loop3A_59 = %parallel_loop3A_49 to %parallel_loop3A_50 step %parallel_loop3A_51  : i32 {
        %parallel_loop3A_60 = arith.constant 128 : i32
        %parallel_loop3A_61 = arith.muli %add3A_43, %parallel_loop3A_60 : i32
        %parallel_loop3A_62 = arith.addi %parallel_loop3A_61, %parallel_loop3A_59 : i32
        %parallel_loop3A_63 = arith.index_cast %parallel_loop3A_62 : i32 to index
        %parallel_loop3A_64 = tpu.vector_load %arg5[%parallel_loop3A_63] {strides = array<i32>} : memref<6416xi32, #tpu.memory_space<vmem>>, vector<16xi32>,
        %parallel_loop3A_65 = arith.constant 0 : i32
        %parallel_loop3A_66 = vector.broadcast %parallel_loop3A_65 : i32 to vector<16xi32>
        %parallel_loop3A_67 = arith.cmpi slt, %broadcast_in_dim3A_7, %parallel_loop3A_66 : vector<16xi32>
        %parallel_loop3A_68 = arith.constant 16 : i32
        %parallel_loop3A_69 = vector.broadcast %parallel_loop3A_68 : i32 to vector<16xi32>
        %parallel_loop3A_70 = arith.addi %broadcast_in_dim3A_7, %parallel_loop3A_69 : vector<16xi32>
        %parallel_loop3A_71 = arith.select %parallel_loop3A_67, %parallel_loop3A_70, %broadcast_in_dim3A_7 : vector<16xi1>, vector<16xi32>
        %parallel_loop3A_72 = vector.shape_cast %parallel_loop3A_71 : vector<16xi32> to vector<16x1xi32>
        %parallel_loop3A_73 = vector.shape_cast %parallel_loop3A_72 : vector<16x1xi32> to vector<16xi32>
        %parallel_loop3A_74 = tpu.dynamic_gather %parallel_loop3A_64[%parallel_loop3A_73] in [0] : vector<16xi32>, vector<16xi32> -> vector<16xi32>
        %parallel_loop3A_75 = arith.addi %parallel_loop3A_74, %iota3A : vector<16xi32>
        %parallel_loop3A_76 = arith.constant 0 : i32
        %parallel_loop3A_77 = tpu.memref_slice %arg6[%parallel_loop3A_76] : memref<25600xf32, #tpu.memory_space<vmem>> -> memref<25600xf32, #tpu.memory_space<vmem>>
        %parallel_loop3A_78 = tpu.vector_load_idx %parallel_loop3A_77[%parallel_loop3A_75] : memref<25600xf32, #tpu.memory_space<vmem>>[vector<16xi32>], vector<16xf32>,
        %parallel_loop3A_79 = arith.constant 16 : i32
        %parallel_loop3A_80 = tpu.memref_slice %arg6[%parallel_loop3A_79] : memref<25600xf32, #tpu.memory_space<vmem>> -> memref<25584xf32, #tpu.memory_space<vmem>>
        %parallel_loop3A_81 = tpu.vector_load_idx %parallel_loop3A_80[%parallel_loop3A_75] : memref<25584xf32, #tpu.memory_space<vmem>>[vector<16xi32>], vector<16xf32>,
        %parallel_loop3A_82 = arith.constant 32 : i32
        %parallel_loop3A_83 = tpu.memref_slice %arg6[%parallel_loop3A_82] : memref<25600xf32, #tpu.memory_space<vmem>> -> memref<25568xf32, #tpu.memory_space<vmem>>
        %parallel_loop3A_84 = tpu.vector_load_idx %parallel_loop3A_83[%parallel_loop3A_75] : memref<25568xf32, #tpu.memory_space<vmem>>[vector<16xi32>], vector<16xf32>,
        %parallel_loop3A_85 = arith.constant 48 : i32
        %parallel_loop3A_86 = tpu.memref_slice %arg6[%parallel_loop3A_85] : memref<25600xf32, #tpu.memory_space<vmem>> -> memref<25552xf32, #tpu.memory_space<vmem>>
        %parallel_loop3A_87 = tpu.vector_load_idx %parallel_loop3A_86[%parallel_loop3A_75] : memref<25552xf32, #tpu.memory_space<vmem>>[vector<16xi32>], vector<16xf32>,
        %parallel_loop3A_88 = arith.constant 64 : i32
        %parallel_loop3A_89 = tpu.memref_slice %arg6[%parallel_loop3A_88] : memref<25600xf32, #tpu.memory_space<vmem>> -> memref<25536xf32, #tpu.memory_space<vmem>>
        %parallel_loop3A_90 = tpu.vector_load_idx %parallel_loop3A_89[%parallel_loop3A_75] : memref<25536xf32, #tpu.memory_space<vmem>>[vector<16xi32>], vector<16xf32>,
        %parallel_loop3A_91 = arith.constant 80 : i32
        %parallel_loop3A_92 = tpu.memref_slice %arg6[%parallel_loop3A_91] : memref<25600xf32, #tpu.memory_space<vmem>> -> memref<25520xf32, #tpu.memory_space<vmem>>
        %parallel_loop3A_93 = tpu.vector_load_idx %parallel_loop3A_92[%parallel_loop3A_75] : memref<25520xf32, #tpu.memory_space<vmem>>[vector<16xi32>], vector<16xf32>,
        %parallel_loop3A_94 = arith.constant 96 : i32
        %parallel_loop3A_95 = tpu.memref_slice %arg6[%parallel_loop3A_94] : memref<25600xf32, #tpu.memory_space<vmem>> -> memref<25504xf32, #tpu.memory_space<vmem>>
        %parallel_loop3A_96 = tpu.vector_load_idx %parallel_loop3A_95[%parallel_loop3A_75] : memref<25504xf32, #tpu.memory_space<vmem>>[vector<16xi32>], vector<16xf32>,
        %parallel_loop3A_97 = arith.constant 112 : i32
        %parallel_loop3A_98 = tpu.memref_slice %arg6[%parallel_loop3A_97] : memref<25600xf32, #tpu.memory_space<vmem>> -> memref<25488xf32, #tpu.memory_space<vmem>>
        %parallel_loop3A_99 = tpu.vector_load_idx %parallel_loop3A_98[%parallel_loop3A_75] : memref<25488xf32, #tpu.memory_space<vmem>>[vector<16xi32>], vector<16xf32>,
        %parallel_loop3A_100 = arith.constant 128 : i32
        %parallel_loop3A_101 = arith.muli %parallel_loop3A_59, %parallel_loop3A_100 : i32
        %parallel_loop3A_102 = arith.constant 0 : i32
        %parallel_loop3A_103 = arith.addi %parallel_loop3A_101, %parallel_loop3A_102 : i32
        %parallel_loop3A_104 = arith.index_cast %parallel_loop3A_103 : i32 to index
        %parallel_loop3A_105 = tpu.vector_load %arg8[%parallel_loop3A_104] {strides = array<i32>} : memref<16384xf32, #tpu.memory_space<vmem>>, vector<16xf32>,
        tpu.vector_store %arg8[%parallel_loop3A_104], %parallel_loop3A_78 {strides = array<i32>} : memref<16384xf32, #tpu.memory_space<vmem>>, vector<16xf32>,
        %parallel_loop3A_106 = arith.constant 128 : i32
        %parallel_loop3A_107 = arith.muli %parallel_loop3A_59, %parallel_loop3A_106 : i32
        %parallel_loop3A_108 = arith.constant 16 : i32
        %parallel_loop3A_109 = arith.addi %parallel_loop3A_107, %parallel_loop3A_108 : i32
        %parallel_loop3A_110 = arith.index_cast %parallel_loop3A_109 : i32 to index
        %parallel_loop3A_111 = tpu.vector_load %arg8[%parallel_loop3A_110] {strides = array<i32>} : memref<16384xf32, #tpu.memory_space<vmem>>, vector<16xf32>,
        tpu.vector_store %arg8[%parallel_loop3A_110], %parallel_loop3A_81 {strides = array<i32>} : memref<16384xf32, #tpu.memory_space<vmem>>, vector<16xf32>,
        %parallel_loop3A_112 = arith.constant 128 : i32
        %parallel_loop3A_113 = arith.muli %parallel_loop3A_59, %parallel_loop3A_112 : i32
        %parallel_loop3A_114 = arith.constant 32 : i32
        %parallel_loop3A_115 = arith.addi %parallel_loop3A_113, %parallel_loop3A_114 : i32
        %parallel_loop3A_116 = arith.index_cast %parallel_loop3A_115 : i32 to index
        %parallel_loop3A_117 = tpu.vector_load %arg8[%parallel_loop3A_116] {strides = array<i32>} : memref<16384xf32, #tpu.memory_space<vmem>>, vector<16xf32>,
        tpu.vector_store %arg8[%parallel_loop3A_116], %parallel_loop3A_84 {strides = array<i32>} : memref<16384xf32, #tpu.memory_space<vmem>>, vector<16xf32>,
        %parallel_loop3A_118 = arith.constant 128 : i32
        %parallel_loop3A_119 = arith.muli %parallel_loop3A_59, %parallel_loop3A_118 : i32
        %parallel_loop3A_120 = arith.constant 48 : i32
        %parallel_loop3A_121 = arith.addi %parallel_loop3A_119, %parallel_loop3A_120 : i32
        %parallel_loop3A_122 = arith.index_cast %parallel_loop3A_121 : i32 to index
        %parallel_loop3A_123 = tpu.vector_load %arg8[%parallel_loop3A_122] {strides = array<i32>} : memref<16384xf32, #tpu.memory_space<vmem>>, vector<16xf32>,
        tpu.vector_store %arg8[%parallel_loop3A_122], %parallel_loop3A_87 {strides = array<i32>} : memref<16384xf32, #tpu.memory_space<vmem>>, vector<16xf32>,
        %parallel_loop3A_124 = arith.constant 128 : i32
        %parallel_loop3A_125 = arith.muli %parallel_loop3A_59, %parallel_loop3A_124 : i32
        %parallel_loop3A_126 = arith.constant 64 : i32
        %parallel_loop3A_127 = arith.addi %parallel_loop3A_125, %parallel_loop3A_126 : i32
        %parallel_loop3A_128 = arith.index_cast %parallel_loop3A_127 : i32 to index
        %parallel_loop3A_129 = tpu.vector_load %arg8[%parallel_loop3A_128] {strides = array<i32>} : memref<16384xf32, #tpu.memory_space<vmem>>, vector<16xf32>,
        tpu.vector_store %arg8[%parallel_loop3A_128], %parallel_loop3A_90 {strides = array<i32>} : memref<16384xf32, #tpu.memory_space<vmem>>, vector<16xf32>,
        %parallel_loop3A_130 = arith.constant 128 : i32
        %parallel_loop3A_131 = arith.muli %parallel_loop3A_59, %parallel_loop3A_130 : i32
        %parallel_loop3A_132 = arith.constant 80 : i32
        %parallel_loop3A_133 = arith.addi %parallel_loop3A_131, %parallel_loop3A_132 : i32
        %parallel_loop3A_134 = arith.index_cast %parallel_loop3A_133 : i32 to index
        %parallel_loop3A_135 = tpu.vector_load %arg8[%parallel_loop3A_134] {strides = array<i32>} : memref<16384xf32, #tpu.memory_space<vmem>>, vector<16xf32>,
        tpu.vector_store %arg8[%parallel_loop3A_134], %parallel_loop3A_93 {strides = array<i32>} : memref<16384xf32, #tpu.memory_space<vmem>>, vector<16xf32>,
        %parallel_loop3A_136 = arith.constant 128 : i32
        %parallel_loop3A_137 = arith.muli %parallel_loop3A_59, %parallel_loop3A_136 : i32
        %parallel_loop3A_138 = arith.constant 96 : i32
        %parallel_loop3A_139 = arith.addi %parallel_loop3A_137, %parallel_loop3A_138 : i32
        %parallel_loop3A_140 = arith.index_cast %parallel_loop3A_139 : i32 to index
        %parallel_loop3A_141 = tpu.vector_load %arg8[%parallel_loop3A_140] {strides = array<i32>} : memref<16384xf32, #tpu.memory_space<vmem>>, vector<16xf32>,
        tpu.vector_store %arg8[%parallel_loop3A_140], %parallel_loop3A_96 {strides = array<i32>} : memref<16384xf32, #tpu.memory_space<vmem>>, vector<16xf32>,
        %parallel_loop3A_142 = arith.constant 128 : i32
        %parallel_loop3A_143 = arith.muli %parallel_loop3A_59, %parallel_loop3A_142 : i32
        %parallel_loop3A_144 = arith.constant 112 : i32
        %parallel_loop3A_145 = arith.addi %parallel_loop3A_143, %parallel_loop3A_144 : i32
        %parallel_loop3A_146 = arith.index_cast %parallel_loop3A_145 : i32 to index
        %parallel_loop3A_147 = tpu.vector_load %arg8[%parallel_loop3A_146] {strides = array<i32>} : memref<16384xf32, #tpu.memory_space<vmem>>, vector<16xf32>,
        tpu.vector_store %arg8[%parallel_loop3A_146], %parallel_loop3A_99 {strides = array<i32>} : memref<16384xf32, #tpu.memory_space<vmem>>, vector<16xf32>,
      } {sc.loop_unroll_factor = 4 : i64, sc.parallel_access}
      %mul3A_52 = arith.constant 128 : i32
      %mul3A_53 = arith.muli %add3A_43, %mul3A_52 : i32
      %add3A_54 = arith.addi %mul3A_6, %mul3A_53 : i32
      %mul3A_55 = arith.constant 128 : i32
      %mul3A_56 = arith.muli %add3A_54, %mul3A_55 : i32
      %dma_start3A_57 = tpu.memref_slice %arg4[%mul3A_56] : memref<26214400xf32, #tpu.memory_space<hbm>> -> memref<16384xf32, #tpu.memory_space<hbm>>
      %dma_start3A_58 = tpu.memref_slice %arg4[%mul3A_56] : memref<26214400xf32, #tpu.memory_space<hbm>> -> memref<16384xf32, #tpu.memory_space<hbm>>
      tpu.enqueue_dma source(%arg8 : memref<16384xf32, #tpu.memory_space<vmem>>) target(%dma_start3A_58 : memref<16384xf32, #tpu.memory_space<hbm>>) target_semaphore(%arg10 : memref<!tpu.dma_semaphore, #tpu.memory_space<semaphore_mem>>)
    }
    %scan3A_12 = arith.constant 25 : i32
    %add3A_13 = arith.constant 6144 : i32
    %add3A_14 = arith.addi %mul3A_6, %add3A_13 : i32
    %mul3A_15 = arith.constant 128 : i32
    %mul3A_16 = arith.muli %add3A_14, %mul3A_15 : i32
    %dma_wait3A = tpu.memref_slice %arg4[%mul3A_16] : memref<26214400xf32, #tpu.memory_space<hbm>> -> memref<16384xf32, #tpu.memory_space<hbm>>
    %dma_wait3A_17 = tpu.memref_slice %arg4[%mul3A_16] : memref<26214400xf32, #tpu.memory_space<hbm>> -> memref<16384xf32, #tpu.memory_space<hbm>>
    tpu.wait_dma2 semaphore(%arg9 : memref<!tpu.dma_semaphore, #tpu.memory_space<semaphore_mem>>) src(%arg7 : memref<16384xf32, #tpu.memory_space<vmem>>) dst(%dma_wait3A_17 : memref<16384xf32, #tpu.memory_space<hbm>>)
    %add3A_18 = arith.constant 6272 : i32
    %add3A_19 = arith.addi %mul3A_6, %add3A_18 : i32
    %mul3A_20 = arith.constant 128 : i32
    %mul3A_21 = arith.muli %add3A_19, %mul3A_20 : i32
    %dma_wait3A_22 = tpu.memref_slice %arg4[%mul3A_21] : memref<26214400xf32, #tpu.memory_space<hbm>> -> memref<16384xf32, #tpu.memory_space<hbm>>
    %dma_wait3A_23 = tpu.memref_slice %arg4[%mul3A_21] : memref<26214400xf32, #tpu.memory_space<hbm>> -> memref<16384xf32, #tpu.memory_space<hbm>>
    tpu.wait_dma2 semaphore(%arg10 : memref<!tpu.dma_semaphore, #tpu.memory_space<semaphore_mem>>) src(%arg8 : memref<16384xf32, #tpu.memory_space<vmem>>) dst(%dma_wait3A_23 : memref<16384xf32, #tpu.memory_space<hbm>>)
    return
  }
}

</mosaic_0001>

<sc_bundles>
// kernel: kernel.3.cloned.1.call-start
scs
__scs_entry_jumppad:
0x0: {  	(pc) =	sbr.rel $0x88, $3  }
0x1: {  	(tag) =	ssettag $0x0;
	lr =	simm.s32 $0x1  }
0x2: {  	[smem:$0x3F9F] =	sst lr;
	_ =	strace $0xD0000000  }
0x3: {  	_ = 	snop  }
0x4: {  	_ = 	snop  }
0x5: {  	_ = 	snop  }
0x6: {  	_ = 	snop  }
0x7: {  	_ = 	snop  }
__scs_overlays_trampoline_lowered:
0x8: {  	[smem:$0x3FAE] =	sst s0  }
0x9: {  	[smem:$0x3FAF] =	sst s1  }
0xa: {  	[smem:$0x3FB0] =	sst s2  }
0xb: {  	[smem:$0x3FB1] =	sst s3  }
0xc: {  	[smem:$0x3FB2] =	sst s4  }
0xd: {  	[smem:$0x3FB3] =	sst s5  }
0xe: {  	[smem:$0x3FB4] =	sst s6  }
0xf: {  	[smem:$0x3FB5] =	sst s7  }
0x10: {  	[smem:$0x3FB6] =	sst s8  }
0x11: {  	[smem:$0x3FB7] =	sst s9;
	s0 =	simm.s32 @!p0 $0x0  }
0x12: {  	s1 =	sld [smem:$0x3F9D];
	s0 =	simm.s32 @p0 $0x1  }
0x13: {  	[smem:$0x3FB8] =	sst s0;
	s0 =	simm.s32 @!p1 $0x0  }
0x14: {  	s2 =	sld [smem:$0x3F9C];
	s0 =	simm.s32 @p1 $0x1  }
0x15: {  	[smem:$0x3FB9] =	sst s0;
	s0 =	simm.s32 @!p2 $0x0  }
0x16: {  	s3 =	sld [smem:$0x3FDB];
	s0 =	simm.s32 @p2 $0x1  }
0x17: {  	s4 =	simm.s32 $0x1BF5;
	[smem:$0x3FBB] =	sst s0  }
0x18: {  	s0 =	sld [smem:$0x3F9E];
	_ =	swait.ge [sflag:s4], $0x0  }
0x19: {  	s7 =	sld [smem:$0x3F9F]  }
0x1a: {  	s8 =	sadd.s32 $0xFFFFE003, lr  }
0x1b: {  	s9 =	sadd.s32 $0xFFFFFEF7, lr;
	s5 =	simm.s32 $0xFFFFFFFF;
	p2 =	slt.u32 s8, $0xFFFFF086  }
0x1c: {  	p1 =	slt.u32 s9, $0xF7A;
	s5 =	simm.s32 @!p2 $0x0  }
0x1d: {  	s5 =	simm.s32 @p1 $0x1;
	p0 =	seq.s32 s7, s2  }
0x1e: {  	s7 =	smul.u32 @!p0 $0xF7A, s2;
	p2 =	seq.s32 @!p0 s5, $0x0  }
0x1f: {  	s9 =	smul.u32 $0xF7A, s1;
	s8 =	simm.s32 @!p0 $0x1BF5;
	p2 =	por !p2, p0  }
0x20: {  	[sflag:s8] =	ssyncset.s32 @!p0 $0xFFFFF086;
	s6 =	sadd.s32 @!p0 s3, s7;
	s7 =	simm.s32 @!p0 $0x108  }
0x21: {  	s3 =	sadd.s32 s3, s9;
	s6 =	sadd.s32 @!p0 $0x88, s6;
	s7 =	simm.s32 @p2 $0x1082  }
0x22: {  	[simem:s7], [sflag:s8] =	dma.local @!p0 [hbm:s6], $0xF7A  }
0x23: {  	s9 =	sor.u32 $0xD0000000, s2;
	s6 =	simm.s32 $0x108;
	_ =	swait.ge @!p0 [sflag:s8], $0x0  }
0x24: {  	s3 =	sadd.s32 $0x88, s3;
	s6 =	simm.s32 @!p1 $0x1082;
	[sflag:s4] =	ssyncset.s32 $0xFFFFF086  }
0x25: {  	[simem:s6], [sflag:s4] =	dma.local [hbm:s3], $0xF7A  }
0x26: {  	[smem:$0x3F9F] =	sst s1;
	(tag) =	ssettag s2;
	_ =	strace s9  }
0x27: {  	s1 =	sld [smem:$0x3FAF]  }
0x28: {  	s2 =	sld [smem:$0x3FB0]  }
0x29: {  	s4 =	sld [smem:$0x3FB2]  }
0x2a: {  	p0 =	seq.s32 s5, $0x0;
	s5 =	sld [smem:$0x3FB3]  }
0x2b: {  	s6 =	sld [smem:$0x3FB4]  }
0x2c: {  	s7 =	sld [smem:$0x3FB5]  }
0x2d: {  	s3 =	simm.s32 $0x108;
	s8 =	sld [smem:$0x3FB6]  }
0x2e: {  	s3 =	simm.s32 @!p0 $0x1082;
	s9 =	sld [smem:$0x3FB7]  }
0x2f: {  	lr =	sadd.s32 s0, s3;
	s0 =	sld [smem:$0x3FAE]  }
0x30: {  	s3 =	sld [smem:$0x3FB1]  }
0x31: {  	[smem:$0x3FBA] =	sst s10  }
0x32: {  	s10 =	sld [smem:$0x3FB8];
	_ =	sdelay $0x3  }
0x33: {  	p0 =	seq.s32 s10, $0x1;
	s10 =	sld [smem:$0x3FBA];
	_ =	sdelay $0x3  }
0x34: {  	[smem:$0x3FBA] =	sst s10  }
0x35: {  	s10 =	sld [smem:$0x3FB9];
	_ =	sdelay $0x3  }
0x36: {  	p1 =	seq.s32 s10, $0x1;
	s10 =	sld [smem:$0x3FBA];
	_ =	sdelay $0x3  }
0x37: {  	[smem:$0x3FBA] =	sst s10  }
0x38: {  	s10 =	sld [smem:$0x3FBB]  }
0x39: {  	_ = 	snop;
	(pc) =	sbr.ind lr, $3  }
0x3a: {  	_ = 	snop  }
0x3b: {  	_ = 	snop  }
0x3c: {  	p2 =	seq.s32 s10, $0x1;
	s10 =	sld [smem:$0x3FBA]  }
0x3d: {  	_ =	shalt  }
0x3e: {  	_ =	shalt  }
0x3f: {  	_ =	shalt  }
0x40: {  	_ =	shalt  }
0x41: {  	_ =	shalt  }
0x42: {  	_ =	shalt  }
0x43: {  	_ =	shalt  }
0x44: {  	_ =	shalt  }
0x45: {  	_ =	shalt  }
0x46: {  	_ =	shalt  }
0x47: {  	_ =	shalt  }
0x48: {  	_ =	shalt  }
0x49: {  	_ =	shalt  }
0x4a: {  	_ =	shalt  }
0x4b: {  	_ =	shalt  }
0x4c: {  	_ =	shalt  }
0x4d: {  	_ =	shalt  }
0x4e: {  	_ =	shalt  }
0x4f: {  	_ =	shalt  }
0x50: {  	_ =	shalt  }
0x51: {  	_ =	shalt  }
0x52: {  	_ =	shalt  }
0x53: {  	_ =	shalt  }
0x54: {  	_ =	shalt  }
0x55: {  	_ =	shalt  }
0x56: {  	_ =	shalt  }
0x57: {  	_ =	shalt  }
0x58: {  	_ =	shalt  }
0x59: {  	_ =	shalt  }
0x5a: {  	_ =	shalt  }
0x5b: {  	_ =	shalt  }
0x5c: {  	_ =	shalt  }
0x5d: {  	_ =	shalt  }
0x5e: {  	_ =	shalt  }
0x5f: {  	_ =	shalt  }
0x60: {  	_ =	shalt  }
0x61: {  	_ =	shalt  }
0x62: {  	_ =	shalt  }
0x63: {  	_ =	shalt  }
0x64: {  	_ =	shalt  }
0x65: {  	_ =	shalt  }
0x66: {  	_ =	shalt  }
0x67: {  	_ =	shalt  }
0x68: {  	_ =	shalt  }
0x69: {  	_ =	shalt  }
0x6a: {  	_ =	shalt  }
0x6b: {  	_ =	shalt  }
0x6c: {  	_ =	shalt  }
0x6d: {  	_ =	shalt  }
0x6e: {  	_ =	shalt  }
0x6f: {  	_ =	shalt  }
0x70: {  	_ =	shalt  }
0x71: {  	_ =	shalt  }
0x72: {  	_ =	shalt  }
0x73: {  	_ =	shalt  }
0x74: {  	_ =	shalt  }
0x75: {  	_ =	shalt  }
0x76: {  	_ =	shalt  }
0x77: {  	_ =	shalt  }
0x78: {  	_ =	shalt  }
0x79: {  	_ =	shalt  }
0x7a: {  	_ =	shalt  }
0x7b: {  	_ =	shalt  }
0x7c: {  	_ =	shalt  }
0x7d: {  	_ =	shalt  }
0x7e: {  	_ =	shalt  }
0x7f: {  	_ =	shalt  }
0x80: {  	_ =	shalt  }
0x81: {  	_ =	shalt  }
0x82: {  	_ =	shalt  }
0x83: {  	_ =	shalt  }
0x84: {  	_ =	shalt  }
0x85: {  	_ =	shalt  }
0x86: {  	_ =	shalt  }
0x87: {  	_ =	shalt  }
.Lfunc_end0:
.L_simem_size_0:
called_computation_lowered:
.L_overlay_start_0:
0x88: {  	s2 =	sld [smem:$0x3FD9]  }
0x89: {  	s3 =	sld [smem:$0x3FFE];
	_ =	sdelay $0x1  }
0x8a: {  	s1 =	srdreg.scid  }
0x8b: {  	s0 =	sand.u32 $0x1, s1  }
0x8c: {  	s17 =	sshll.u32 s0, $0xA;
	s2 =	sadd.s32 s3, s2  }
0x8d: {  	s2 =	sadd.s32 s2, s17  }
0x8e: {  	[smem:$0x3FC6] =	sst s2  }
0x8f: {  	_ = 	snop  }
0x90: {  	s2 =	sld [smem:$0x3FC8]  }
0x91: {  	s18 =	sld [smem:$0x3FD0];
	(tm) =	ssettm $0x1  }
0x92: {  	s4 =	sld [smem:$0x3FFB];
	_ =	sdelay $0x3  }
0x93: {  	_ =	strace s4  }
0x94: {  	s4 =	sld [smem:$0x3FFC];
	_ =	sdelay $0x3  }
0x95: {  	_ =	strace s4  }
0x96: {  	s4 =	sld [smem:$0x3FFD];
	_ =	sdelay $0x3  }
0x97: {  	_ =	strace s4  }
0x98: {  	_ =	strace $0x8FFFFFFF  }
0x99: {  	s19 =	sld [smem:$0x3FDB];
	_ =	sdelay $0x1  }
0x9a: {  	s5 =	simm.s32 $_scs_section_size  }
0x9b: {  	s6 =	simm.s32 $_size__tile_overlayer_lowered;
	s7 =	simm.s32 $_tile_overlayer_lowered  }
0x9c: {  	s22 =	simm.s32 $0x1BFF;
	s21 =	sshll.u32 s7, $0x1;
	s4 =	sadd.s32 s5, s19  }
0x9d: {  	s8 =	simm.s32 $0x0;
	s20 =	sshll.u32 s6, $0x1;
	s6 =	sadd.s32 s21, s4  }
0x9e: {  	[timem:s8], [sflag:s22] =	dma.local [hbm:s6], s20  }
0x9f: {  	_ =	swait.ge [sflag:s22], s20  }
0xa0: {  	s5 =	ssub.s32 $0x0, s20;
	[sflag:s22] =	ssyncset.done $0x0  }
0xa1: {  	[sflag:s22] =	ssyncadd.s32 s5;
	_ =	sdelay $0x1  }
0xa2: {  	s23 =	simm.s32 $0x1B8B  }
0xa3: {  	_ =	swait.ge [sflag:s23], $0x1  }
0xa4: {  	[sflag:s23] =	ssyncset.done $0x0  }
0xa5: {  	s25 =	simm.s32 $0x1B8E;
	s24 =	sld [smem:$0x3FFE];
	[sflag:s23] =	ssyncadd.s32 $0xFFFFFFFF  }
0xa6: {  	s26 =	simm.s32 $execute0_lowered;
	[smem:$0x3FD2] =	sst s25  }
0xa7: {  	s6 =	sshll.u32 s26, $0x1;
	_ =	strace $0x80000046;
	[dreg:$0x1] =	wrdreg $0xFFFFFFFF  }
0xa8: {  	s28 =	simm.s32 $_size_execute0_lowered;
	s4 =	sadd.s32 s4, s6;
	[dreg:$0x0] =	wrdreg $0x0  }
0xa9: {  	s6 =	sshll.u32 s28, $0x1;
	[dreg:$0x2] =	wrdreg s4  }
0xaa: {  	[dreg:$0x3] =	wrdreg s6  }
0xab: {  	[dreg:$0x4] =	wrdreg $0xC0  }
0xac: {  	_ =	task [dreg:s8], $0x5FFFF  }
0xad: {  	[dreg:$0x1] =	wrdreg $0xFFFFFFFF  }
0xae: {  	[dreg:$0x0] =	wrdreg $0x60  }
0xaf: {  	[dreg:$0x2] =	wrdreg s24  }
0xb0: {  	[dreg:$0x3] =	wrdreg s2  }
0xb1: {  	[dreg:$0x4] =	wrdreg s18  }
0xb2: {  	[dreg:$0x5] =	wrdreg $0x9  }
0xb3: {  	_ =	task.clear_ibuf [dreg:s8], $0x6FFFF;
	_ =	strace $0x90000046  }
0xb4: {  	s29 =	simm.s32 $0x9;
	_ =	strace $0x80000048  }
0xb5: {  	_ =	swait.ge [sflag:s29], $0x1  }
0xb6: {  	[sflag:s29] =	ssyncadd.s32 $0xFFFFFFFF  }
0xb7: {  	_ =	strace $0x90000048  }
0xb8: {  	_ =	sfence  }
0xb9: {  	s30 =	sld [smem:$0x0];
	_ =	sdelay $0x2  }
0xba: {  	s31 =	sshll.u32 s1, $0xD;
	s1 =	sshrl.u32 s1, $0x2  }
0xbb: {  	s3 =	sand.u32 $0x4000, s31;
	s1 =	sadd.s32 s1, s30  }
0xbc: {  	s0 =	sor.u32 s3, s0;
	s1 =	sshll.u32 s1, $0x11  }
0xbd: {  	s0 =	sor.u32 s1, s0  }
0xbe: {  	s0 =	sadd.s32 $0x8F2B, s0  }
0xbf: {  	[sflag:s0] =	ssyncadd.remote.s32 $0x1  }
0xc0: {  	_ =	sfence.sel $0xFFFF  }
0xc1: {  	[dreg:$0x0] =	wrdreg $0xFFFFFFFF;
	(pc) =	sbr.abs _section_cstart, $3  }
0xc2: {  	[dreg:$0x1] =	wrdreg $0xFFFFFFFF  }
0xc3: {  	_ =	task.clear_ibuf [dreg:s8], $0x2FFFF;
	_ =	strace $0x9FFFFFFF  }
0xc4: {  	(tm) =	ssettm $0x7FFFFFFF  }
0xc5: {  	_ =	shalt  }
tec
execute0_lowered:
.L_overlay_start_1:
0x0: {  	(tag) =	ssettag $0x1  }
0x1: {  	s0 =	rddreg [dreg:$0x0];
	s1 =	srdreg.scid  }
0x2: {  	s2 =	stileid.u32;
	s5 =	simm.s32 $0x0;
	s8 =	simm.s32 $0x1980  }
0x3: {  	v0 =	vimm.s32 $0xECA86420;
	s10 =	simm.s32 $0x1990;
	s1 =	sand.u32 $0x1, s1;
	s2 =	sshll.u32 s2, $0x1  }
0x4: {  	vm0 =	vcmask $0xB08;
	vm1 =	vcmask $0x1310;
	vm2 =	vcmask $0x1B18;
	s11 =	simm.s32 $0x19A0;
	s12 =	simm.s32 $0x19B0;
	s2 =	sor.u32 s1, s2  }
0x5: {  	vm3 =	vcmask $0x300;
	vm4 =	vcmask $0x2320;
	vm5 =	vcmask $0x2B28;
	s13 =	simm.s32 $0x19C0;
	s1 =	ssub.s32 $0x2, s1;
	s3 =	smul.u32 $0x320, s2  }
0x6: {  	v1 =	vlaneseq.u32;
	vm6 =	vcmask $0x3330;
	vm7 =	vcmask $0x3B38;
	[smem:$0x7FF] =	sst s5;
	s30 =	sshrl.u32 s1, $0x1;
	s6 =	smul.u32 $0xC8000, s2  }
0x7: {  	vm8 =	vmmov $0xff;
	vm9 =	vcmask $0x704;
	vm10 =	vcmask $0xF0C;
	s14 =	simm.s32 $0x19D0;
	_ =	strace $0x80000047;
	s1 =	ssub.s32 s1, s30  }
0x8: {  	vm11 =	vcmask $0x1714;
	vm12 =	vcmask $0x1F1C;
	v0 =	vunpack.c.l.s4.s8 v0;
	s0 =	sadd.s32 s3, s0;
	s31 =	smax.u32 s1, $0x1;
	[smem:$0x7FD] =	sst s6  }
0x9: {  	s15 =	simm.s32 $0x19E0;
	vm13 =	vcmask $0x2724;
	vm14 =	vcmask $0x2F2C;
	vm15 =	vcmask $0x3734;
	s0 =	sadd.s32 $0x400, s0;
	[smem:$0x7FC] =	sst s31  }
0xa: {  	s16 =	simm.s32 $0x19F0;
	v3 =	vimm.s32 $0x0;
	v2 =	vmul.u32 $0x2, v1;
	v0 =	vunpack.c.0.s8.s32 v0;
	s2 =	simm.s32 $0x0;
	[smem:$0x7FB] =	sst s0  }
.LBB2_1:
0xb: {  	[smem:$0x774] =	sst s2  }
0xc: {  	s0 =	rddreg [dreg:$0x1];
	s1 =	simm.s32 $0x3  }
0xd: {  	[tilespmem:s8], [sflag:$0x3] =	stream.linear.gather [hbm4b:s0+s5], $0x6400, $0x38;
	[tilespmem:$0xFD80] =	vst v63  }
0xe: {  	_ =	swait.ge [sflag:s1], $0x6400  }
0xf: {  	s7 =	sld [smem:$0x7FB]  }
0x10: {  	[sflag:s1] =	ssyncset.done $0x0  }
0x11: {  	[sflag:s1] =	ssyncadd.s32 $0xFFFF9C00  }
0x12: {  	[tilespmem:s5], [sflag:$0x3] =	stream.linear.gather [hbm4b:s7+s5], $0x1900, $0x38;
	[tilespmem:$0xFD80] =	vst v63  }
0x13: {  	_ =	swait.ge [sflag:s1], $0x1900  }
0x14: {  	[sflag:s1] =	ssyncset.done $0x0  }
0x15: {  	s9 =	simm.s32 $0x20;
	[sflag:s1] =	ssyncadd.s32 $0xFFFFE700  }
0x16: {  	v7 =	vld [tilespmem:s9+$0xFFFFFFE0];
	_ =	sdelay $0x4  }
0x17: {  	(v2sf) =	vpush v7, $0xF  }
0x18: {  	(v2sf) =	vpush v7, $0xB  }
0x19: {  	(v2sf) =	vpush v7, $0x6;
	_ =	sdelay $0x1  }
0x1a: {  	(v2sf) =	vpush v7, $0xE  }
0x1b: {  	(v2sf) =	vpush v7, $0xA  }
0x1c: {  	(v2sf) =	vpush v7, $0xD;
	_ =	sdelay $0x1  }
0x1d: {  	(v2sf) =	vpush v7, $0x9  }
0x1e: {  	(v2sf) =	vpush v7, $0x5;
	_ =	sdelay $0x1  }
0x1f: {  	(v2sf) =	vpush v7, $0xC  }
0x20: {  	(v2sf) =	vpush v7, $0x8;
	_ =	sdelay $0x1  }
0x21: {  	(v2sf) =	vpush v7, $0x4  }
0x22: {  	(v2sf) =	vpush v7, $0x3;
	s0 =	spop (v2sf)  }
0x23: {  	s17 =	smulhi.u32 $0x51EB851F, s0;
	s1 =	spop (v2sf)  }
0x24: {  	s18 =	smulhi.u32 $0x51EB851F, s1;
	s2 =	spop (v2sf)  }
0x25: {  	[smem:$0x775] =	sst s17;
	s23 =	smulhi.u32 $0x51EB851F, s2  }
0x26: {  	s5 =	spop (v2sf);
	[smem:$0x776] =	sst s18  }
0x27: {  	s3 =	smulhi.u32 $0x51EB851F, s5;
	s6 =	spop (v2sf)  }
0x28: {  	s19 =	smulhi.u32 $0x51EB851F, s6;
	s7 =	spop (v2sf)  }
0x29: {  	[smem:$0x778] =	sst s3;
	s20 =	smulhi.u32 $0x51EB851F, s7  }
0x2a: {  	s9 =	spop (v2sf);
	s3 =	sshra.s32 s5, $0x1F;
	s5 =	sshra.s32 s6, $0x1F  }
0x2b: {  	s6 =	sshra.s32 s7, $0x1F;
	s24 =	smulhi.u32 $0x51EB851F, s9;
	s17 =	spop (v2sf)  }
0x2c: {  	[smem:$0x779] =	sst s19;
	s7 =	sshra.s32 s9, $0x1F;
	s28 =	smulhi.u32 $0x51EB851F, s17  }
0x2d: {  	s18 =	spop (v2sf);
	s9 =	smul.u32 $0x51EB851F, s7  }
0x2e: {  	(v2sf) =	vpush v7, $0x2;
	s21 =	smulhi.u32 $0x51EB851F, s18;
	s19 =	spop (v2sf)  }
0x2f: {  	[smem:$0x777] =	sst s20;
	s22 =	smulhi.u32 $0x51EB851F, s19  }
0x30: {  	(v2sf) =	vpush v7, $0x1;
	s20 =	spop (v2sf);
	[smem:$0x77A] =	sst s21  }
0x31: {  	(v2sf) =	vpush v7, $0x0;
	s4 =	smulhi.u32 $0x51EB851F, s20;
	s21 =	spop (v2sf)  }
0x32: {  	s25 =	simm.s32 $0x20;
	s0 =	sshra.s32 s0, $0x1F;
	s26 =	smulhi.u32 $0x51EB851F, s21  }
0x33: {  	s2 =	sshra.s32 s2, $0x1F;
	(v2sf) =	vpush v7, $0x7;
	[smem:$0x77E] =	sst s22;
	s22 =	smul.u32 $0x51EB851F, s0  }
0x34: {  	s0 =	smul.u32 $0x51EB851F, s2;
	v4 =	vld [tilespmem:s25+$0xFFFFFFF0]  }
0x35: {  	s17 =	sshra.s32 s17, $0x1F;
	s2 =	smul.u32 $0x51EB851F, s5;
	[smem:$0x780] =	sst s4  }
0x36: {  	s1 =	sshra.s32 s1, $0x1F;
	s5 =	smul.u32 $0x51EB851F, s17;
	v5 =	vld [tilespmem:s25+$0x0]  }
0x37: {  	s4 =	smul.u32 $0x51EB851F, s1  }
0x38: {  	s21 =	sshra.s32 s21, $0x1F;
	s1 =	smul.u32 $0x51EB851F, s6;
	v6 =	vld [tilespmem:s25+$0x10];
	[smem:$0x789] =	sst s0  }
0x39: {  	s25 =	sshra.s32 s18, $0x1F;
	[smem:$0x77D] =	sst s5;
	s5 =	smul.u32 $0x51EB851F, s21;
	(v2sf) =	vpush v4, $0x0  }
0x3a: {  	[smem:$0x77C] =	sst s9;
	s9 =	sshra.s32 s19, $0x1F;
	s7 =	smul.u32 $0x51EB851F, s25  }
0x3b: {  	s18 =	sshra.s32 s20, $0x1F;
	s17 =	smul.u32 $0x51EB851F, s9;
	[smem:$0x788] =	sst s5;
	(v2sf) =	vpush v5, $0x0  }
0x3c: {  	s20 =	smul.u32 $0x51EB851F, s18;
	[smem:$0x77B] =	sst s7  }
0x3d: {  	[smem:$0x77F] =	sst s17;
	s19 =	spop (v2sf)  }
0x3e: {  	[smem:$0x781] =	sst s20;
	s25 =	smulhi.u32 $0x51EB851F, s19;
	s6 =	sshra.s32 s19, $0x1F;
	(v2sf) =	vpush v6, $0x0  }
0x3f: {  	s7 =	spop (v2sf);
	s6 =	smul.u32 $0x51EB851F, s6  }
0x40: {  	s9 =	smulhi.u32 $0x51EB851F, s7;
	s17 =	spop (v2sf);
	(v2sf) =	vpush v4, $0x1  }
0x41: {  	s5 =	sshra.s32 s7, $0x1F;
	[smem:$0x784] =	sst s25;
	s18 =	smulhi.u32 $0x51EB851F, s17;
	(v2sf) =	vpush v5, $0x1  }
0x42: {  	s19 =	smul.u32 $0x51EB851F, s5;
	s21 =	spop (v2sf)  }
0x43: {  	[smem:$0x785] =	sst s6;
	s6 =	sshra.s32 s17, $0x1F;
	s31 =	smulhi.u32 $0x51EB851F, s21;
	(v2sf) =	vpush v6, $0x1  }
0x44: {  	[smem:$0x786] =	sst s9;
	s5 =	sshra.s32 s21, $0x1F;
	s20 =	smul.u32 $0x51EB851F, s6  }
0x45: {  	[smem:$0x782] =	sst s18;
	s6 =	smul.u32 $0x51EB851F, s5  }
0x46: {  	[smem:$0x787] =	sst s19;
	(v2sf) =	vpush v4, $0xC  }
0x47: {  	[smem:$0x783] =	sst s20;
	s6 =	sadd.s32 s6, s31  }
0x48: {  	(v2sf) =	vpush v4, $0x8;
	[smem:$0x7BE] =	sst s6;
	s25 =	spop (v2sf)  }
0x49: {  	s6 =	sld [smem:$0x788];
	s0 =	sshra.s32 s25, $0x1F;
	s25 =	smulhi.u32 $0x51EB851F, s25  }
0x4a: {  	(v2sf) =	vpush v4, $0x2;
	s5 =	spop (v2sf);
	s9 =	smul.u32 $0x51EB851F, s0  }
0x4b: {  	s17 =	sshra.s32 s5, $0x1F;
	s7 =	smulhi.u32 $0x51EB851F, s5;
	[smem:$0x78B] =	sst s25  }
0x4c: {  	(v2sf) =	vpush v5, $0xC;
	s19 =	smul.u32 $0x51EB851F, s17;
	[smem:$0x78A] =	sst s9  }
0x4d: {  	s9 =	spop (v2sf);
	[smem:$0x78D] =	sst s7  }
0x4e: {  	[smem:$0x78C] =	sst s19;
	s20 =	sshra.s32 s9, $0x1F;
	s9 =	smulhi.u32 $0x51EB851F, s9  }
0x4f: {  	(v2sf) =	vpush v5, $0x8;
	s5 =	spop (v2sf);
	s21 =	smul.u32 $0x51EB851F, s20  }
0x50: {  	(v2sf) =	vpush v5, $0x2;
	s7 =	spop (v2sf);
	s17 =	sshra.s32 s5, $0x1F;
	s5 =	smulhi.u32 $0x51EB851F, s5  }
0x51: {  	[smem:$0x78F] =	sst s9;
	s18 =	smul.u32 $0x51EB851F, s17  }
0x52: {  	s9 =	spop (v2sf);
	[smem:$0x78E] =	sst s21  }
0x53: {  	(v2sf) =	vpush v6, $0xC;
	s19 =	sshra.s32 s7, $0x1F;
	s17 =	smulhi.u32 $0x51EB851F, s7;
	[smem:$0x791] =	sst s5  }
0x54: {  	s31 =	sadd.s32 s6, s26;
	s20 =	smul.u32 $0x51EB851F, s19;
	s26 =	sld [smem:$0x78F]  }
0x55: {  	(v2sf) =	vpush v6, $0x8;
	s21 =	sshra.s32 s9, $0x1F;
	s5 =	spop (v2sf);
	[smem:$0x790] =	sst s18  }
0x56: {  	(v2sf) =	vpush v6, $0x2;
	s25 =	smul.u32 $0x51EB851F, s21;
	[smem:$0x793] =	sst s17  }
0x57: {  	s18 =	smulhi.u32 $0x51EB851F, s9;
	s7 =	spop (v2sf);
	s19 =	sshra.s32 s5, $0x1F  }
0x58: {  	[smem:$0x792] =	sst s20;
	s20 =	smul.u32 $0x51EB851F, s19  }
0x59: {  	s9 =	spop (v2sf);
	s6 =	sld [smem:$0x790]  }
0x5a: {  	s21 =	sshra.s32 s7, $0x1F;
	s7 =	smulhi.u32 $0x51EB851F, s7;
	[smem:$0x794] =	sst s25  }
0x5b: {  	s25 =	smul.u32 $0x51EB851F, s21;
	s19 =	spop (v2sf);
	s17 =	sshra.s32 s9, $0x1F  }
0x5c: {  	[smem:$0x796] =	sst s20;
	s20 =	smul.u32 $0x51EB851F, s17;
	s21 =	sshra.s32 s19, $0x1F  }
0x5d: {  	[smem:$0x797] =	sst s25;
	s25 =	smul.u32 $0x51EB851F, s21  }
0x5e: {  	[smem:$0x799] =	sst s20;
	s20 =	spop (v2sf)  }
0x5f: {  	[smem:$0x795] =	sst s18;
	s21 =	spop (v2sf);
	s17 =	sshra.s32 s20, $0x1F  }
0x60: {  	[smem:$0x79B] =	sst s25;
	s25 =	smul.u32 $0x51EB851F, s17;
	s17 =	sshra.s32 s21, $0x1F  }
0x61: {  	[smem:$0x798] =	sst s7;
	s18 =	smul.u32 $0x51EB851F, s17  }
0x62: {  	[smem:$0x79D] =	sst s25;
	s25 =	spop (v2sf)  }
0x63: {  	[smem:$0x79F] =	sst s18;
	s17 =	sshra.s32 s25, $0x1F  }
0x64: {  	s29 =	spop (v2sf);
	s18 =	smul.u32 $0x51EB851F, s17  }
0x65: {  	s7 =	smulhi.u32 $0x51EB851F, s21;
	s0 =	spop (v2sf);
	s17 =	sshra.s32 s29, $0x1F  }
0x66: {  	[smem:$0x7A1] =	sst s18;
	s18 =	smul.u32 $0x51EB851F, s17  }
0x67: {  	[smem:$0x7A0] =	sst s7;
	s17 =	sshra.s32 s0, $0x1F;
	s0 =	smulhi.u32 $0x51EB851F, s0  }
0x68: {  	(v2sf) =	vpush v4, $0xD;
	[smem:$0x7A3] =	sst s18;
	s18 =	smul.u32 $0x51EB851F, s17  }
0x69: {  	(v2sf) =	vpush v4, $0x9;
	s17 =	smulhi.u32 $0x51EB851F, s9;
	s9 =	sld [smem:$0x777]  }
0x6a: {  	[smem:$0x7A6] =	sst s0  }
0x6b: {  	(v2sf) =	vpush v4, $0x3;
	[smem:$0x7A5] =	sst s18  }
0x6c: {  	(v2sf) =	vpush v5, $0xD;
	[smem:$0x79A] =	sst s17;
	s18 =	smulhi.u32 $0x51EB851F, s19  }
0x6d: {  	(v2sf) =	vpush v5, $0x9;
	s19 =	smulhi.u32 $0x51EB851F, s20;
	s20 =	sld [smem:$0x775]  }
0x6e: {  	s17 =	sld [smem:$0x778]  }
0x6f: {  	(v2sf) =	vpush v5, $0x3;
	[smem:$0x79C] =	sst s18  }
0x70: {  	s1 =	sadd.s32 s1, s9;
	[smem:$0x79E] =	sst s19  }
0x71: {  	[smem:$0x7BC] =	sst s1  }
0x72: {  	s3 =	smul.u32 $0x51EB851F, s3;
	s19 =	sld [smem:$0x779]  }
0x73: {  	s30 =	smulhi.u32 $0x51EB851F, s5;
	(v2sf) =	vpush v6, $0xD;
	s5 =	sadd.s32 s22, s20;
	s22 =	sld [smem:$0x776]  }
0x74: {  	(v2sf) =	vpush v6, $0x9;
	s18 =	smulhi.u32 $0x51EB851F, s25;
	s1 =	sadd.s32 s3, s17;
	[smem:$0x7C1] =	sst s5  }
0x75: {  	s20 =	smulhi.u32 $0x51EB851F, s29;
	[smem:$0x7BF] =	sst s1  }
0x76: {  	[smem:$0x7A2] =	sst s18;
	s1 =	sadd.s32 s2, s19  }
0x77: {  	[smem:$0x7A4] =	sst s20;
	s19 =	spop (v2sf);
	s4 =	sadd.s32 s4, s22  }
0x78: {  	[smem:$0x7C0] =	sst s1;
	s9 =	spop (v2sf);
	s21 =	sshra.s32 s19, $0x1F  }
0x79: {  	[smem:$0x7C2] =	sst s4;
	s0 =	smul.u32 $0x51EB851F, s21;
	s22 =	sshra.s32 s9, $0x1F  }
0x7a: {  	(v2sf) =	vpush v6, $0x3;
	s7 =	spop (v2sf);
	s25 =	smul.u32 $0x51EB851F, s22  }
0x7b: {  	s29 =	spop (v2sf);
	[smem:$0x7A7] =	sst s0;
	s0 =	sshra.s32 s7, $0x1F  }
0x7c: {  	s5 =	spop (v2sf);
	s2 =	sshra.s32 s29, $0x1F;
	s1 =	smul.u32 $0x51EB851F, s0  }
0x7d: {  	[smem:$0x7A9] =	sst s25;
	s4 =	smul.u32 $0x51EB851F, s2  }
0x7e: {  	s0 =	spop (v2sf);
	s17 =	sshra.s32 s5, $0x1F;
	[smem:$0x7AB] =	sst s1  }
0x7f: {  	s18 =	smul.u32 $0x51EB851F, s17;
	s20 =	sshra.s32 s0, $0x1F;
	[smem:$0x7AD] =	sst s4  }
0x80: {  	s21 =	smul.u32 $0x51EB851F, s20;
	s20 =	sld [smem:$0x77A]  }
0x81: {  	s0 =	smulhi.u32 $0x51EB851F, s0;
	[smem:$0x7AF] =	sst s18  }
0x82: {  	s2 =	spop (v2sf);
	s18 =	sld [smem:$0x77D]  }
0x83: {  	s22 =	sshra.s32 s2, $0x1F;
	s1 =	spop (v2sf);
	[smem:$0x7B2] =	sst s0  }
0x84: {  	s3 =	smul.u32 $0x51EB851F, s22;
	[smem:$0x7B1] =	sst s21  }
0x85: {  	s25 =	sshra.s32 s1, $0x1F;
	s21 =	sld [smem:$0x77B]  }
0x86: {  	[smem:$0x7B3] =	sst s3;
	s3 =	smul.u32 $0x51EB851F, s25  }
0x87: {  	s25 =	sld [smem:$0x77C]  }
0x88: {  	[smem:$0x7B5] =	sst s3  }
0x89: {  	s4 =	spop (v2sf);
	s17 =	sadd.s32 s21, s20;
	s20 =	sld [smem:$0x77E]  }
0x8a: {  	s22 =	sshra.s32 s4, $0x1F;
	s21 =	sld [smem:$0x77F]  }
0x8b: {  	s3 =	smul.u32 $0x51EB851F, s22;
	s22 =	sld [smem:$0x780]  }
0x8c: {  	[smem:$0x7BA] =	sst s17  }
0x8d: {  	s17 =	sadd.s32 s25, s24;
	s24 =	sld [smem:$0x781]  }
0x8e: {  	[smem:$0x7BD] =	sst s17  }
0x8f: {  	[smem:$0x7B7] =	sst s3  }
0x90: {  	s25 =	smulhi.u32 $0x51EB851F, s19;
	s17 =	sadd.s32 s18, s28;
	s18 =	sld [smem:$0x783]  }
0x91: {  	[smem:$0x7C4] =	sst s17  }
0x92: {  	s19 =	smulhi.u32 $0x51EB851F, s9;
	[smem:$0x7A8] =	sst s25  }
0x93: {  	s17 =	sld [smem:$0x782]  }
0x94: {  	[smem:$0x7AA] =	sst s19  }
0x95: {  	s3 =	sadd.s32 s21, s20;
	s20 =	sld [smem:$0x784]  }
0x96: {  	s9 =	smulhi.u32 $0x51EB851F, s29;
	s21 =	sld [smem:$0x785]  }
0x97: {  	s25 =	smulhi.u32 $0x51EB851F, s7;
	s7 =	sld [smem:$0x789]  }
0x98: {  	[smem:$0x7AE] =	sst s9  }
0x99: {  	s9 =	sld [smem:$0x792]  }
0x9a: {  	[smem:$0x7BB] =	sst s3  }
0x9b: {  	s3 =	sadd.s32 s24, s22;
	s22 =	sld [smem:$0x786]  }
0x9c: {  	s24 =	sld [smem:$0x787]  }
0x9d: {  	[smem:$0x7C3] =	sst s3  }
0x9e: {  	[smem:$0x7AC] =	sst s25  }
0x9f: {  	s25 =	sld [smem:$0x78E]  }
0xa0: {  	s17 =	sadd.s32 s18, s17;
	s18 =	sld [smem:$0x78A]  }
0xa1: {  	(v2sf) =	vpush v4, $0xE;
	s20 =	sadd.s32 s21, s20;
	s21 =	sld [smem:$0x78B]  }
0xa2: {  	s3 =	sadd.s32 s7, s23;
	s23 =	sld [smem:$0x78D]  }
0xa3: {  	(v2sf) =	vpush v4, $0xA;
	s7 =	sld [smem:$0x791]  }
0xa4: {  	(v2sf) =	vpush v4, $0x4;
	s19 =	sadd.s32 s24, s22;
	[smem:$0x7C5] =	sst s3;
	s24 =	smulhi.u32 $0x51EB851F, s5  }
0xa5: {  	(v2sf) =	vpush v5, $0xE;
	s22 =	sld [smem:$0x78C]  }
0xa6: {  	(v2sf) =	vpush v5, $0xA;
	[smem:$0x7B0] =	sst s24  }
0xa7: {  	(v2sf) =	vpush v5, $0x4;
	s3 =	sadd.s32 s18, s21;
	s18 =	sld [smem:$0x793]  }
0xa8: {  	(v2sf) =	vpush v6, $0xE;
	s21 =	sld [smem:$0x794]  }
0xa9: {  	s24 =	sld [smem:$0x796]  }
0xaa: {  	[smem:$0x7C6] =	sst s3  }
0xab: {  	s3 =	sadd.s32 s22, s23;
	s22 =	sld [smem:$0x795]  }
0xac: {  	s23 =	smulhi.u32 $0x51EB851F, s2;
	[smem:$0x7C7] =	sst s3;
	s3 =	sadd.s32 s25, s26  }
0xad: {  	[smem:$0x7C8] =	sst s3  }
0xae: {  	s0 =	sadd.s32 s9, s18;
	[smem:$0x7B4] =	sst s23  }
0xaf: {  	s25 =	smulhi.u32 $0x51EB851F, s1;
	[smem:$0x7CA] =	sst s0;
	s0 =	sadd.s32 s21, s22  }
0xb0: {  	s1 =	spop (v2sf);
	[smem:$0x7CB] =	sst s0;
	s0 =	sadd.s32 s24, s30  }
0xb1: {  	s26 =	smulhi.u32 $0x51EB851F, s4;
	[smem:$0x7CC] =	sst s0;
	s0 =	sshra.s32 s1, $0x1F  }
0xb2: {  	s3 =	sadd.s32 s6, s7;
	s30 =	spop (v2sf);
	s2 =	smul.u32 $0x51EB851F, s0  }
0xb3: {  	[smem:$0x7C9] =	sst s3;
	s9 =	spop (v2sf)  }
0xb4: {  	s3 =	sshra.s32 s30, $0x1F;
	[smem:$0x7B9] =	sst s2;
	s2 =	spop (v2sf)  }
0xb5: {  	s21 =	smul.u32 $0x51EB851F, s3;
	s3 =	spop (v2sf)  }
0xb6: {  	[smem:$0x7B6] =	sst s25;
	s5 =	sshra.s32 s2, $0x1F;
	s4 =	spop (v2sf)  }
0xb7: {  	s25 =	smul.u32 $0x51EB851F, s5;
	s5 =	spop (v2sf)  }
0xb8: {  	s22 =	sld [smem:$0x798];
	s18 =	sshra.s32 s5, $0x1F  }
0xb9: {  	s23 =	smul.u32 $0x51EB851F, s18;
	s18 =	sld [smem:$0x797]  }
0xba: {  	_ = 	snop  }
0xbb: {  	s29 =	sld [smem:$0x799]  }
0xbc: {  	s18 =	sadd.s32 s18, s22;
	s22 =	sld [smem:$0x79A];
	_ =	sdelay $0x2  }
0xbd: {  	s29 =	sadd.s32 s29, s22;
	s22 =	sld [smem:$0x79C]  }
0xbe: {  	[smem:$0x7CE] =	sst s29  }
0xbf: {  	s29 =	sld [smem:$0x79B];
	_ =	sdelay $0x2  }
0xc0: {  	s29 =	sadd.s32 s29, s22;
	s22 =	sld [smem:$0x79E]  }
0xc1: {  	[smem:$0x7D0] =	sst s29  }
0xc2: {  	s29 =	sld [smem:$0x79D];
	_ =	sdelay $0x2  }
0xc3: {  	s29 =	sadd.s32 s29, s22;
	s22 =	sld [smem:$0x7A0]  }
0xc4: {  	[smem:$0x7D1] =	sst s29  }
0xc5: {  	s29 =	sld [smem:$0x79F];
	_ =	sdelay $0x2  }
0xc6: {  	s29 =	sadd.s32 s29, s22;
	s22 =	sld [smem:$0x7A2]  }
0xc7: {  	[smem:$0x7D2] =	sst s29  }
0xc8: {  	s29 =	sld [smem:$0x7A1];
	_ =	sdelay $0x2  }
0xc9: {  	s29 =	sadd.s32 s29, s22;
	s22 =	sld [smem:$0x7A4]  }
0xca: {  	[smem:$0x7D3] =	sst s29  }
0xcb: {  	s29 =	sld [smem:$0x7A3];
	_ =	sdelay $0x2  }
0xcc: {  	s29 =	sadd.s32 s29, s22;
	s22 =	sld [smem:$0x7A6]  }
0xcd: {  	[smem:$0x7D4] =	sst s29  }
0xce: {  	s29 =	sld [smem:$0x7A5];
	_ =	sdelay $0x2  }
0xcf: {  	s29 =	sadd.s32 s29, s22;
	s22 =	sld [smem:$0x7A7]  }
0xd0: {  	[smem:$0x7D5] =	sst s29  }
0xd1: {  	s29 =	sld [smem:$0x7A8];
	_ =	sdelay $0x2  }
0xd2: {  	s29 =	sadd.s32 s22, s29;
	s22 =	sld [smem:$0x7A9]  }
0xd3: {  	[smem:$0x7D6] =	sst s29  }
0xd4: {  	s29 =	sld [smem:$0x7AA];
	_ =	sdelay $0x2  }
0xd5: {  	s29 =	sadd.s32 s22, s29;
	s22 =	sld [smem:$0x7AB]  }
0xd6: {  	[smem:$0x7D7] =	sst s29  }
0xd7: {  	s29 =	sld [smem:$0x7AC];
	_ =	sdelay $0x2  }
0xd8: {  	s29 =	sadd.s32 s22, s29;
	s22 =	sld [smem:$0x7AD]  }
0xd9: {  	[smem:$0x7D8] =	sst s29  }
0xda: {  	s29 =	sld [smem:$0x7AE];
	_ =	sdelay $0x2  }
0xdb: {  	s29 =	sadd.s32 s22, s29;
	s22 =	sld [smem:$0x7AF]  }
0xdc: {  	[smem:$0x7E0] =	sst s29  }
0xdd: {  	s29 =	sld [smem:$0x7B0];
	_ =	sdelay $0x2  }
0xde: {  	s29 =	sadd.s32 s22, s29;
	s22 =	sld [smem:$0x7B1]  }
0xdf: {  	[smem:$0x7E4] =	sst s29  }
0xe0: {  	s29 =	sld [smem:$0x7B2];
	_ =	sdelay $0x2  }
0xe1: {  	(v2sf) =	vpush v6, $0xA;
	s29 =	sadd.s32 s22, s29;
	s22 =	sld [smem:$0x7B3]  }
0xe2: {  	(v2sf) =	vpush v6, $0x4;
	[smem:$0x7E7] =	sst s29  }
0xe3: {  	s29 =	sld [smem:$0x7B4];
	_ =	sdelay $0x1  }
0xe4: {  	[smem:$0x7B8] =	sst s26  }
0xe5: {  	s2 =	smulhi.u32 $0x51EB851F, s2;
	s29 =	sadd.s32 s22, s29;
	s22 =	sld [smem:$0x7B5]  }
0xe6: {  	s6 =	sshra.s32 s3, $0x1F;
	s3 =	smulhi.u32 $0x51EB851F, s3;
	[smem:$0x7EA] =	sst s29  }
0xe7: {  	s26 =	smul.u32 $0x51EB851F, s6;
	s2 =	sadd.s32 s25, s2;
	s29 =	sld [smem:$0x7B6]  }
0xe8: {  	[smem:$0x7F2] =	sst s2  }
0xe9: {  	s3 =	sadd.s32 s26, s3;
	s26 =	sld [smem:$0x7BF]  }
0xea: {  	s1 =	smulhi.u32 $0x51EB851F, s1;
	s29 =	sadd.s32 s22, s29;
	s22 =	sld [smem:$0x7B7]  }
0xeb: {  	s30 =	smulhi.u32 $0x51EB851F, s30;
	[smem:$0x7EB] =	sst s29  }
0xec: {  	s28 =	sshra.s32 s9, $0x1F;
	s9 =	smulhi.u32 $0x51EB851F, s9;
	s29 =	sld [smem:$0x7B8]  }
0xed: {  	s7 =	sshra.s32 s4, $0x1F;
	s4 =	smulhi.u32 $0x51EB851F, s4;
	[smem:$0x7F8] =	sst s3  }
0xee: {  	s24 =	smul.u32 $0x51EB851F, s7;
	[smem:$0x7CD] =	sst s18  }
0xef: {  	s6 =	spop (v2sf);
	s29 =	sadd.s32 s22, s29;
	s22 =	sld [smem:$0x7B9]  }
0xf0: {  	s7 =	spop (v2sf);
	s0 =	sshra.s32 s6, $0x1F;
	[smem:$0x7EC] =	sst s29  }
0xf1: {  	s18 =	smul.u32 $0x51EB851F, s0;
	s0 =	sshra.s32 s7, $0x1F;
	s29 =	sld [smem:$0x7BE]  }
0xf2: {  	s1 =	sadd.s32 s22, s1;
	s22 =	sadd.s32 s21, s30;
	s21 =	smulhi.u32 $0x51EB851F, s6  }
0xf3: {  	s6 =	smulhi.u32 $0x51EB851F, s7;
	s7 =	sadd.s32 s24, s4;
	s24 =	sld [smem:$0x7BD]  }
0xf4: {  	s28 =	smul.u32 $0x51EB851F, s28;
	[smem:$0x7EE] =	sst s1  }
0xf5: {  	s5 =	smulhi.u32 $0x51EB851F, s5;
	[smem:$0x7EF] =	sst s22  }
0xf6: {  	[dreg:$0xa] =	wrdreg s7  }
0xf7: {  	s22 =	sadd.s32 s28, s9;
	s9 =	sadd.s32 s23, s5;
	s23 =	sld [smem:$0x7BC]  }
0xf8: {  	[smem:$0x7F1] =	sst s22  }
0xf9: {  	s2 =	sshra.s32 s17, $0x6;
	s3 =	sshra.s32 s17, $0x1F;
	[dreg:$0x9] =	wrdreg s9  }
0xfa: {  	s0 =	smul.u32 $0x51EB851F, s0;
	s1 =	sadd.s32 s18, s21;
	s21 =	sld [smem:$0x7BA]  }
0xfb: {  	s4 =	sshrl.u32 s17, $0x1F;
	s25 =	sshra.s32 s29, $0x1F;
	s22 =	sld [smem:$0x7BB]  }
0xfc: {  	s0 =	sadd.s32 s0, s6;
	v8 =	vmov s25;
	s25 =	sshra.s32 s20, $0x6;
	[dreg:$0x8] =	wrdreg s1  }
0xfd: {  	[smem:$0x7DD] =	sst s0;
	s17 =	sshrl.u32 s24, $0x1F;
	s18 =	sshra.s32 s24, $0x6  }
0xfe: {  	s24 =	sshra.s32 s19, $0x1F;
	v8 =	vsel vm3, s2, v8;
	s7 =	sshrl.u32 s23, $0x1F;
	s9 =	sshra.s32 s23, $0x6  }
0xff: {  	s23 =	sshra.s32 s19, $0x6;
	v8 =	vsel vm9, s3, v8;
	s3 =	sld [smem:$0x7C5];
	s0 =	sshrl.u32 s21, $0x1F  }
0x100: {  	s1 =	sshra.s32 s21, $0x6;
	s5 =	sshrl.u32 s22, $0x1F;
	s6 =	sshra.s32 s22, $0x6  }
0x101: {  	s22 =	sshrl.u32 s26, $0x1F;
	s21 =	sshra.s32 s26, $0x6;
	v8 =	vsel vm0, s23, v8;
	s23 =	sld [smem:$0x7C1]  }
0x102: {  	s26 =	sshra.s32 s20, $0x1F;
	v9 =	vmov s0;
	s0 =	sshrl.u32 s19, $0x1F;
	s19 =	sld [smem:$0x7C0];
	v11 =	vmov s1  }
0x103: {  	v8 =	vsel vm10, s24, v8;
	s24 =	sld [smem:$0x7C2];
	v9 =	vsel vm0, s7, v9;
	s7 =	sshra.s32 s31, $0x6;
	v11 =	vsel vm0, s9, v11;
	s9 =	sshra.s32 s31, $0x1F  }
0x104: {  	v13 =	vmov s6;
	v8 =	vsel vm1, s25, v8;
	s25 =	sld [smem:$0x7C3];
	s28 =	sshra.s32 s3, $0x1F;
	s6 =	sshrl.u32 s23, $0x1F  }
0x105: {  	s1 =	sshra.s32 s23, $0x6;
	v8 =	vsel vm11, s26, v8;
	s26 =	sld [smem:$0x7C4];
	v11 =	vsel vm1, s21, v11;
	s21 =	sshra.s32 s3, $0x6  }
0x106: {  	v10 =	vmov s5;
	s2 =	sshrl.u32 s19, $0x1F;
	s5 =	sshra.s32 s19, $0x6;
	s19 =	sshrl.u32 s20, $0x1F  }
0x107: {  	v12 =	vmov s4;
	[smem:$0x7CF] =	sst s1;
	s20 =	sshrl.u32 s24, $0x1F;
	v8 =	vsel vm2, s7, v8;
	s7 =	smov.u32 s29  }
0x108: {  	v12 =	vnsel vm3, $0x0, v12;
	v13 =	vsel vm0, s18, v13;
	s1 =	sld [smem:$0x7C6];
	s18 =	sshra.s32 s25, $0x6;
	s23 =	sshra.s32 s25, $0x1F  }
0x109: {  	v12 =	vsel vm0, s0, v12;
	s4 =	sshrl.u32 s25, $0x1F;
	s30 =	sshra.s32 s7, $0x6;
	s7 =	sld [smem:$0x7C8]  }
0x10a: {  	v10 =	vsel vm0, s17, v10;
	v9 =	vsel vm1, s22, v9;
	v12 =	vsel vm1, s19, v12;
	s19 =	sld [smem:$0x7C9];
	s22 =	sshra.s32 s26, $0x6;
	s25 =	sshra.s32 s26, $0x1F  }
0x10b: {  	v10 =	vsel vm1, s2, v10;
	s2 =	sshrl.u32 s26, $0x1F;
	s26 =	sshrl.u32 s3, $0x1F;
	s3 =	sld [smem:$0x7C7]  }
0x10c: {  	s24 =	sshra.s32 s24, $0x6;
	v13 =	vsel vm1, s5, v13;
	v8 =	vsel vm12, s9, v8;
	v10 =	vsel vm2, s20, v10;
	s20 =	sld [smem:$0x7CE]  }
0x10d: {  	s17 =	sshrl.u32 s31, $0x1F;
	v8 =	vsel vm4, s18, v8;
	v13 =	vsel vm2, s24, v13;
	s24 =	sld [smem:$0x7D4];
	s31 =	sshrl.u32 s1, $0x1F  }
0x10e: {  	v9 =	vsel vm2, s6, v9;
	s5 =	sshrl.u32 s1, $0x6;
	v8 =	vsel vm13, s23, v8;
	s0 =	sshrl.u32 s7, $0x1F;
	s6 =	sshrl.u32 s19, $0x1F  }
0x10f: {  	v8 =	vsel vm5, s22, v8;
	s22 =	sld [smem:$0x7CC];
	s1 =	sshrl.u32 s3, $0x1F;
	s9 =	sshrl.u32 s3, $0x6  }
0x110: {  	s3 =	sshrl.u32 s7, $0x6;
	s7 =	sshrl.u32 s19, $0x6;
	s19 =	sld [smem:$0x7CA];
	v8 =	vsel vm14, s25, v8  }
0x111: {  	v12 =	vsel vm2, s17, v12;
	v8 =	vsel vm6, s21, v8;
	s21 =	sld [smem:$0x7D1]  }
0x112: {  	v12 =	vsel vm4, s4, v12;
	v17 =	vmov s9;
	s9 =	sld [smem:$0x7D6];
	s4 =	sshrl.u32 s22, $0x6  }
0x113: {  	s18 =	sshrl.u32 s19, $0x1F;
	s17 =	sshrl.u32 s19, $0x6;
	s19 =	sld [smem:$0x7CB]  }
0x114: {  	[smem:$0x7DC] =	sst s4;
	s4 =	sshrl.u32 s20, $0x6  }
0x115: {  	v12 =	vsel vm5, s2, v12;
	s2 =	sshrl.u32 s20, $0x1F;
	[smem:$0x7DE] =	sst s4;
	s20 =	sshrl.u32 s9, $0x1F  }
0x116: {  	[smem:$0x7E8] =	sst s20;
	s23 =	sshrl.u32 s19, $0x1F  }
0x117: {  	[smem:$0x7D9] =	sst s23  }
0x118: {  	v16 =	vmov s1;
	s23 =	sshrl.u32 s22, $0x1F;
	s22 =	sld [smem:$0x7CD]  }
0x119: {  	(v2sf) =	vpush v4, $0xF;
	v16 =	vnsel vm3, $0x0, v16;
	[smem:$0x7DA] =	sst s23  }
0x11a: {  	v16 =	vsel vm0, s18, v16;
	s18 =	sld [smem:$0x7D9]  }
0x11b: {  	s23 =	sshrl.u32 s22, $0x1F;
	s25 =	sshrl.u32 s22, $0x6;
	s22 =	sld [smem:$0x7CF]  }
0x11c: {  	(v2sf) =	vpush v4, $0xB;
	[smem:$0x7DB] =	sst s23  }
0x11d: {  	(v2sf) =	vpush v4, $0x5;
	v18 =	vmov s0;
	s23 =	sld [smem:$0x7D0]  }
0x11e: {  	v18 =	vnsel vm3, $0x0, v18;
	v23 =	vmov s25;
	s25 =	sld [smem:$0x7DD]  }
0x11f: {  	v18 =	vsel vm0, s18, v18;
	s18 =	sld [smem:$0x7DB]  }
0x120: {  	(v2sf) =	vpush v5, $0xF;
	v11 =	vsel vm2, s22, v11;
	s22 =	sld [smem:$0x7D2]  }
0x121: {  	(v2sf) =	vpush v5, $0xB;
	v12 =	vsel vm6, s26, v12;
	s26 =	sshrl.u32 s23, $0x1F;
	s4 =	sshrl.u32 s23, $0x6;
	s23 =	sld [smem:$0x7D3]  }
0x122: {  	(v2sf) =	vpush v5, $0x5;
	[smem:$0x7DF] =	sst s26  }
0x123: {  	(v2sf) =	vpush v6, $0xF;
	s29 =	sshrl.u32 s29, $0x1F;
	[smem:$0x7E1] =	sst s4  }
0x124: {  	v12 =	vsel vm7, s29, v12;
	s29 =	sshrl.u32 s21, $0x6;
	s26 =	sshrl.u32 s21, $0x1F;
	s21 =	sld [smem:$0x7D7]  }
0x125: {  	v21 =	vmov s18;
	s18 =	sld [smem:$0x7DC];
	s4 =	sshrl.u32 s22, $0x6  }
0x126: {  	v15 =	vmov s5;
	[smem:$0x7E3] =	sst s4  }
0x127: {  	v14 =	vmov s31;
	v15 =	vnsel vm3, $0x0, v15;
	s31 =	sshrl.u32 s23, $0x1F;
	s4 =	sshrl.u32 s23, $0x6;
	s23 =	sld [smem:$0x7D8]  }
0x128: {  	s5 =	sshrl.u32 s24, $0x1F;
	v15 =	vsel vm0, s7, v15;
	s7 =	spop (v2sf);
	[smem:$0x7E5] =	sst s4  }
0x129: {  	v8 =	vsel vm15, s28, v8;
	s28 =	sshrl.u32 s22, $0x1F;
	s4 =	sld [smem:$0x7D5];
	s22 =	sshrl.u32 s21, $0x1F  }
0x12a: {  	v8 =	vsel vm7, s30, v8;
	s30 =	sshrl.u32 s24, $0x6;
	s24 =	sshra.s32 s7, $0x1F;
	[smem:$0x7E9] =	sst s22  }
0x12b: {  	v30 =	vmov s5;
	v17 =	vnsel vm3, $0x0, v17;
	s22 =	sshrl.u32 s21, $0x6;
	s21 =	spop (v2sf);
	s5 =	sld [smem:$0x7E5]  }
0x12c: {  	v14 =	vnsel vm3, $0x0, v14;
	v17 =	vsel vm0, s17, v17;
	v22 =	vmov s18;
	s18 =	sld [smem:$0x7DE];
	s17 =	spop (v2sf);
	s0 =	sshrl.u32 s4, $0x6  }
0x12d: {  	(v2sf) =	vpush v6, $0xB;
	v14 =	vsel vm0, s6, v14;
	s1 =	sshrl.u32 s4, $0x1F;
	s4 =	sshrl.u32 s9, $0x6;
	[smem:$0x7E6] =	sst s0  }
0x12e: {  	v14 =	vsel vm1, s2, v14;
	s9 =	sshrl.u32 s23, $0x1F;
	s0 =	smul.u32 $0x51EB851F, s24;
	v31 =	vmov s5;
	s5 =	sld [smem:$0x7E8]  }
0x12f: {  	s20 =	spop (v2sf);
	v34 =	vsel vm2, s9, v14;
	s9 =	sld [smem:$0x7EA]  }
0x130: {  	v19 =	vmov s3;
	s3 =	sshra.s32 s21, $0x1F;
	s24 =	spop (v2sf);
	[dreg:$0x14] =	wrdreg s0  }
0x131: {  	s19 =	sshrl.u32 s19, $0x6;
	s0 =	smul.u32 $0x51EB851F, s3;
	s3 =	spop (v2sf)  }
0x132: {  	(v2sf) =	vpush v6, $0x5;
	v19 =	vnsel vm3, $0x0, v19;
	s6 =	sshra.s32 s17, $0x1F;
	[smem:$0x7F4] =	sst s3;
	s2 =	spop (v2sf)  }
0x133: {  	v19 =	vsel vm0, s19, v19;
	s19 =	sshra.s32 s20, $0x1F;
	[dreg:$0x15] =	wrdreg s0;
	s0 =	smul.u32 $0x51EB851F, s6  }
0x134: {  	v25 =	vmov s26;
	v18 =	vsel vm1, s1, v18;
	s1 =	sshrl.u32 s9, $0x6;
	s6 =	sld [smem:$0x7DA];
	s26 =	smov.u32 s2  }
0x135: {  	s2 =	sshra.s32 s26, $0x1F;
	[dreg:$0x16] =	wrdreg s0;
	s0 =	smul.u32 $0x51EB851F, s19  }
0x136: {  	[smem:$0x7F3] =	sst s1;
	s19 =	sshra.s32 s24, $0x1F;
	s2 =	smul.u32 $0x51EB851F, s2  }
0x137: {  	(v2sf) =	vpush v4, $0x6;
	v20 =	vmov s6;
	s19 =	smul.u32 $0x51EB851F, s19;
	s6 =	sshra.s32 s3, $0x1F;
	[dreg:$0x1b] =	wrdreg s0  }
0x138: {  	s3 =	smul.u32 $0x51EB851F, s6;
	s6 =	sld [smem:$0x7E0]  }
0x139: {  	(v2sf) =	vpush v5, $0x6;
	[smem:$0x7E2] =	sst s2  }
0x13a: {  	[dreg:$0x1c] =	wrdreg s19  }
0x13b: {  	s19 =	sld [smem:$0x7DF]  }
0x13c: {  	[dreg:$0x1e] =	wrdreg s3;
	s3 =	spop (v2sf)  }
0x13d: {  	v15 =	vsel vm1, s18, v15;
	s18 =	sshrl.u32 s6, $0x1F;
	s0 =	sshrl.u32 s6, $0x6;
	s6 =	sld [smem:$0x7E3]  }
0x13e: {  	[dreg:$0xc] =	wrdreg s3  }
0x13f: {  	[smem:$0x7ED] =	sst s18  }
0x140: {  	v24 =	vmov s19;
	s19 =	sld [smem:$0x7E1]  }
0x141: {  	s2 =	sshra.s32 s3, $0x1F;
	[smem:$0x7F0] =	sst s0;
	s18 =	spop (v2sf)  }
0x142: {  	v27 =	vmov s29;
	s29 =	smul.u32 $0x51EB851F, s2;
	s2 =	sld [smem:$0x7EC]  }
0x143: {  	[dreg:$0xb] =	wrdreg s18  }
0x144: {  	v9 =	vcombine.low v10, v9;
	v20 =	vsel vm0, s5, v20;
	s5 =	smulhi.u32 $0x51EB851F, s7;
	s7 =	sld [smem:$0x7ED]  }
0x145: {  	v10 =	vcombine.low v13, v11;
	s23 =	sshrl.u32 s23, $0x6;
	v28 =	vsel vm1, s6, v17;
	s6 =	sshra.s32 s18, $0x1F;
	s18 =	sld [smem:$0x7E6]  }
0x146: {  	v11 =	vperm.xlane v9, v0;
	v9 =	vsel vm2, s23, v15;
	s23 =	spop (v2sf);
	v26 =	vmov s19;
	s19 =	sld [smem:$0x7E4]  }
0x147: {  	v29 =	vmov s31;
	s31 =	smul.u32 $0x51EB851F, s6;
	s6 =	sld [smem:$0x7E9]  }
0x148: {  	v32 =	vmov s30;
	s30 =	spop (v2sf);
	[dreg:$0xd] =	wrdreg s23  }
0x149: {  	v12 =	vperm.xlane v12, v2;
	v16 =	vsel vm1, s28, v16;
	s28 =	sshrl.u32 s19, $0x1F;
	s3 =	sshrl.u32 s19, $0x6;
	s19 =	sld [smem:$0x7E7]  }
0x14a: {  	(v2sf) =	vpush v6, $0x6;
	[dreg:$0xe] =	wrdreg s30;
	v33 =	vsel vm0, s6, v21;
	s6 =	sshrl.u32 s9, $0x1F;
	s9 =	smulhi.u32 $0x51EB851F, s21  }
0x14b: {  	v12 =	vsel vm8, v12, v11;
	(v2sf) =	vpush v4, $0x7;
	s21 =	sshrl.u32 s2, $0x1F;
	v11 =	vsel vm0, s3, v27;
	s3 =	smulhi.u32 $0x51EB851F, s24;
	s24 =	sld [smem:$0x7F1]  }
0x14c: {  	v19 =	vsel vm1, s18, v19;
	s0 =	sshrl.u32 s19, $0x1F;
	s18 =	sshrl.u32 s19, $0x6;
	s19 =	sld [smem:$0x7EB]  }
0x14d: {  	(v2sf) =	vpush v5, $0x7;
	v15 =	vsel vm2, s21, v18;
	s21 =	sld [smem:$0x7F2]  }
0x14e: {  	(v2sf) =	vpush v6, $0x7;
	v14 =	vperm.xlane v10, v0;
	v10 =	vsel vm2, s0, v16;
	s0 =	sld [smem:$0x7EF]  }
0x14f: {  	v35 =	vsel vm0, s4, v22;
	v21 =	vsel vm2, s18, v28;
	s18 =	sld [smem:$0x7F3];
	s4 =	sshrl.u32 s19, $0x1F  }
0x150: {  	s1 =	sshrl.u32 s19, $0x6;
	s19 =	smulhi.u32 $0x51EB851F, s17;
	s17 =	sld [smem:$0x7EE]  }
0x151: {  	[smem:$0x7F5] =	sst s1  }
0x152: {  	v22 =	vsel vm0, s4, v30;
	v18 =	vsel vm0, s18, v31;
	s18 =	sld [smem:$0x7F4];
	s4 =	simm.s32 $0x0  }
0x153: {  	v36 =	vsel vm0, s22, v23;
	s1 =	sshrl.u32 s24, $0x1F;
	[dreg:$0x5] =	wrdreg s4  }
0x154: {  	v17 =	vperm.xlane v8, v2;
	v13 =	vsel vm0, s28, v25;
	s28 =	sld [smem:$0x7F5];
	v23 =	vsel vm4, s1, v34;
	s1 =	simm.s32 $0x20  }
0x155: {  	v8 =	vsel vm0, s7, v24;
	s22 =	sshrl.u32 s17, $0x1F;
	s7 =	sshrl.u32 s17, $0x6;
	s17 =	sld [smem:$0x7F0]  }
0x156: {  	s20 =	smulhi.u32 $0x51EB851F, s20;
	v14 =	vsel vm8, v17, v14;
	[dreg:$0x4] =	wrdreg s1  }
0x157: {  	v14 =	vadd.s32 v12, v14;
	s2 =	sshrl.u32 s2, $0x6;
	v12 =	vsel vm0, s6, v29;
	s6 =	sshrl.u32 s24, $0x6;
	[smem:$0x7F9] =	sst s7  }
0x158: {  	v16 =	vmul.u32 $0xC8, v14;
	s7 =	sshrl.u32 s0, $0x1F;
	v14 =	vsel vm0, s28, v32;
	s28 =	sshra.s32 s23, $0x1F;
	s23 =	sshra.s32 s30, $0x1F  }
0x159: {  	v20 =	vsel vm1, s22, v20;
	s22 =	sld [smem:$0x7F9];
	v17 =	vsel vm0, s17, v26;
	s17 =	sshrl.u32 s0, $0x6;
	s0 =	spop (v2sf)  }
0x15a: {  	s1 =	simm.s32 $0x60;
	[smem:$0x7F6] =	sst s23;
	s24 =	spop (v2sf)  }
0x15b: {  	v7 =	vsub.s32 v7, v16;
	[dreg:$0xf] =	wrdreg s0;
	s0 =	sshra.s32 s0, $0x1F;
	v16 =	vsel vm1, s17, v36;
	s17 =	simm.s32 $0x20  }
0x15c: {  	v7 =	vshll.u32 v7, $0x7;
	s4 =	spop (v2sf);
	[smem:$0x7F7] =	sst s0;
	s23 =	smov.u32 s24  }
0x15d: {  	v19 =	vsel vm2, s2, v19;
	v24 =	vsel vm1, s7, v33;
	s7 =	sshra.s32 s24, $0x1F;
	s24 =	sld [smem:$0x7F8];
	s2 =	spop (v2sf);
	[tilespmem:s17+$0xFFFFFFE0] =	vst v7  }
0x15e: {  	s18 =	smulhi.u32 $0x51EB851F, s18;
	v25 =	vsel vm1, s22, v35;
	[dreg:$0x7] =	wrdreg s2;
	s22 =	sshra.s32 s2, $0x1F  }
0x15f: {  	s30 =	smov.u32 s4;
	s0 =	sshra.s32 s4, $0x1F;
	[smem:$0x7FA] =	sst s22  }
.LBB2_2:
0x160: {  	[dreg:$0x6] =	wrdreg s1  }
0x161: {  	v7 =	vld [tilespmem:s1+$0xFFFFFFE0];
	s1 =	rddreg [dreg:$0x9]  }
0x162: {  	v26 =	vsel vm4, s6, v9;
	s6 =	sshrl.u32 s21, $0x1F;
	s22 =	rddreg [dreg:$0x6]  }
0x163: {  	s4 =	smov.u32 s21;
	s21 =	smulhi.u32 $0x51EB851F, s26;
	s26 =	rddreg [dreg:$0x4]  }
0x164: {  	s2 =	smov.u32 s26;
	s26 =	smov.u32 s22;
	s22 =	rddreg [dreg:$0x6]  }
0x165: {  	[dreg:$0x12] =	wrdreg s2  }
0x166: {  	v27 =	vsel vm1, s6, v8;
	s6 =	sshrl.u32 s24, $0x6;
	[dreg:$0x4] =	wrdreg s26  }
0x167: {  	v11 =	vsel vm1, s6, v11;
	s6 =	sshrl.u32 s1, $0x1F;
	s2 =	rddreg [dreg:$0x6]  }
0x168: {  	v12 =	vsel vm1, s6, v12;
	s6 =	sshrl.u32 s25, $0x1F;
	s26 =	sshrl.u32 s4, $0x6;
	s4 =	rddreg [dreg:$0xc]  }
0x169: {  	v15 =	vsel vm4, s6, v15;
	s6 =	sld [smem:$0x7F7]  }
0x16a: {  	v9 =	vld [tilespmem:s2+$0xFFFFFFF0];
	s2 =	rddreg [dreg:$0xa]  }
0x16b: {  	s17 =	sshrl.u32 s24, $0x1F;
	v17 =	vsel vm1, s26, v17;
	s26 =	rddreg [dreg:$0xb]  }
0x16c: {  	v8 =	vld [tilespmem:s22+$0x0];
	s22 =	sshrl.u32 s2, $0x6;
	s24 =	smulhi.u32 $0x51EB851F, s26;
	s26 =	rddreg [dreg:$0x8]  }
0x16d: {  	v13 =	vsel vm1, s17, v13;
	s17 =	sshrl.u32 s2, $0x1F;
	s2 =	rddreg [dreg:$0x6];
	v21 =	vsel vm4, s22, v21;
	s22 =	sshrl.u32 s26, $0x1F  }
0x16e: {  	v28 =	vsel vm4, s17, v10;
	v10 =	vld [tilespmem:s2+$0x10];
	s2 =	sld [smem:$0x7F6];
	v22 =	vsel vm1, s22, v22;
	s22 =	sshrl.u32 s1, $0x6  }
0x16f: {  	s1 =	smul.u32 $0x51EB851F, s6;
	s6 =	sshrl.u32 s26, $0x6;
	s26 =	rddreg [dreg:$0x14]  }
0x170: {  	s17 =	smul.u32 $0x51EB851F, s28;
	s28 =	sadd.s32 s26, s5;
	s26 =	rddreg [dreg:$0x15]  }
0x171: {  	v18 =	vsel vm1, s22, v18;
	s22 =	sshrl.u32 s25, $0x6;
	s25 =	sadd.s32 s26, s9;
	s9 =	rddreg [dreg:$0xd]  }
0x172: {  	s0 =	smul.u32 $0x51EB851F, s0;
	v19 =	vsel vm4, s22, v19;
	s22 =	rddreg [dreg:$0x16]  }
0x173: {  	s4 =	smulhi.u32 $0x51EB851F, s4;
	(v2sf) =	vpush v7, $0xF;
	s26 =	rddreg [dreg:$0x1b]  }
0x174: {  	(v2sf) =	vpush v7, $0xB;
	s5 =	smulhi.u32 $0x51EB851F, s9;
	s9 =	rddreg [dreg:$0xe]  }
0x175: {  	(v2sf) =	vpush v7, $0x6;
	s24 =	sadd.s32 s31, s24;
	s19 =	sadd.s32 s22, s19;
	s22 =	rddreg [dreg:$0x1c]  }
0x176: {  	s2 =	smul.u32 $0x51EB851F, s2;
	s20 =	sadd.s32 s26, s20;
	s26 =	rddreg [dreg:$0x1e]  }
0x177: {  	(v2sf) =	vpush v7, $0xE;
	v14 =	vsel vm1, s6, v14;
	s6 =	smulhi.u32 $0x51EB851F, s9;
	s18 =	sadd.s32 s26, s18;
	s26 =	sld [smem:$0x7E2]  }
0x178: {  	(v2sf) =	vpush v7, $0xA;
	s22 =	sadd.s32 s22, s3;
	s9 =	rddreg [dreg:$0xf];
	s3 =	sshrl.u32 s28, $0x1F  }
0x179: {  	s9 =	smulhi.u32 $0x51EB851F, s9;
	v20 =	vsel vm2, s3, v20;
	s3 =	sshrl.u32 s19, $0x1F;
	s19 =	sshrl.u32 s19, $0x6  }
0x17a: {  	(v2sf) =	vpush v7, $0xD;
	s5 =	sadd.s32 s17, s5;
	v26 =	vsel vm5, s19, v26;
	s19 =	smulhi.u32 $0x51EB851F, s30;
	s21 =	sadd.s32 s26, s21  }
0x17b: {  	(v2sf) =	vpush v7, $0x9;
	s26 =	sadd.s32 s29, s4;
	s4 =	smul.u32 $0x51EB851F, s7;
	s7 =	sshrl.u32 s28, $0x6  }
0x17c: {  	s29 =	sshrl.u32 s25, $0x1F;
	s25 =	sshrl.u32 s25, $0x6;
	v25 =	vsel vm2, s7, v25;
	s7 =	sld [smem:$0x7FA]  }
0x17d: {  	(v2sf) =	vpush v7, $0x5;
	s2 =	sadd.s32 s2, s6;
	s1 =	sadd.s32 s1, s9;
	v16 =	vsel vm2, s25, v16;
	s25 =	sshrl.u32 s22, $0x1F  }
0x17e: {  	(v2sf) =	vpush v7, $0xC;
	s22 =	sshrl.u32 s22, $0x6;
	s0 =	sadd.s32 s0, s19;
	v13 =	vsel vm2, s25, v13;
	s25 =	sshrl.u32 s18, $0x1F  }
0x17f: {  	v23 =	vsel vm5, s3, v23;
	(v2sf) =	vpush v7, $0x8;
	s18 =	sshrl.u32 s18, $0x6;
	v28 =	vsel vm5, s25, v28;
	s25 =	rddreg [dreg:$0x7];
	s3 =	smul.u32 $0x51EB851F, s7  }
0x180: {  	(v2sf) =	vpush v7, $0x4;
	s7 =	smulhi.u32 $0x51EB851F, s23;
	s23 =	sshrl.u32 s20, $0x1F;
	s20 =	sshrl.u32 s20, $0x6  }
0x181: {  	v11 =	vsel vm2, s22, v11;
	s22 =	sshrl.u32 s26, $0x1F;
	v21 =	vsel vm5, s18, v21;
	s18 =	sshrl.u32 s21, $0x6;
	v17 =	vsel vm2, s20, v17;
	s20 =	smulhi.u32 $0x51EB851F, s25  }
0x182: {  	(v2sf) =	vpush v7, $0x3;
	v22 =	vsel vm2, s22, v22;
	v27 =	vsel vm2, s23, v27;
	s23 =	sshrl.u32 s21, $0x1F;
	s25 =	sshrl.u32 s24, $0x1F;
	s22 =	spop (v2sf)  }
0x183: {  	(v2sf) =	vpush v7, $0x2;
	s21 =	sshrl.u32 s26, $0x6;
	s24 =	sshrl.u32 s24, $0x6;
	s17 =	spop (v2sf)  }
0x184: {  	v18 =	vsel vm2, s18, v18;
	v15 =	vsel vm5, s25, v15;
	v19 =	vsel vm5, s24, v19;
	s25 =	sshrl.u32 s5, $0x1F;
	s24 =	smulhi.u32 $0x51EB851F, s17;
	s18 =	spop (v2sf)  }
0x185: {  	s26 =	sshrl.u32 s2, $0x1F;
	v23 =	vsel vm6, s25, v23;
	s25 =	sadd.s32 s4, s7;
	s4 =	smulhi.u32 $0x51EB851F, s18  }
0x186: {  	s5 =	sshrl.u32 s5, $0x6;
	v28 =	vsel vm6, s26, v28;
	s26 =	spop (v2sf);
	[smem:$0x70C] =	sst s24  }
0x187: {  	(v2sf) =	vpush v7, $0x1;
	s2 =	sshrl.u32 s2, $0x6;
	v26 =	vsel vm6, s5, v26;
	s5 =	smulhi.u32 $0x51EB851F, s26;
	s30 =	spop (v2sf)  }
0x188: {  	(v2sf) =	vpush v7, $0x0;
	v12 =	vsel vm2, s23, v12;
	s23 =	sshrl.u32 s1, $0x1F;
	[dreg:$0x13] =	wrdreg s4;
	s6 =	smulhi.u32 $0x51EB851F, s30  }
0x189: {  	(v2sf) =	vpush v7, $0x7;
	s1 =	sshrl.u32 s1, $0x6;
	v15 =	vsel vm6, s23, v15;
	s23 =	spop (v2sf);
	[smem:$0x70E] =	sst s5  }
0x18a: {  	(v2sf) =	vpush v9, $0x0;
	v19 =	vsel vm6, s1, v19;
	s1 =	sadd.s32 s3, s20;
	s9 =	smulhi.u32 $0x51EB851F, s23;
	s20 =	spop (v2sf)  }
0x18b: {  	s7 =	sshrl.u32 s25, $0x1F;
	[smem:$0x70F] =	sst s6;
	s19 =	smulhi.u32 $0x51EB851F, s20  }
0x18c: {  	v21 =	vsel vm6, s2, v21;
	(v2sf) =	vpush v8, $0x0;
	s2 =	sshrl.u32 s25, $0x6;
	s25 =	spop (v2sf);
	[smem:$0x70D] =	sst s9  }
0x18d: {  	s24 =	smulhi.u32 $0x51EB851F, s25;
	s9 =	spop (v2sf)  }
0x18e: {  	(v2sf) =	vpush v10, $0x0;
	[smem:$0x711] =	sst s19;
	s4 =	smulhi.u32 $0x51EB851F, s9  }
0x18f: {  	v24 =	vsel vm2, s29, v24;
	v14 =	vsel vm2, s21, v14;
	(v2sf) =	vpush v9, $0x1;
	s29 =	spop (v2sf);
	[smem:$0x712] =	sst s24  }
0x190: {  	v14 =	vcombine.low v14, v18;
	v18 =	vsel vm7, s7, v23;
	s7 =	smulhi.u32 $0x51EB851F, s29;
	s24 =	rddreg [dreg:$0x5]  }
0x191: {  	v20 =	vcombine.low v24, v20;
	(v2sf) =	vpush v8, $0x1;
	s5 =	sshrl.u32 s1, $0x1F;
	s6 =	spop (v2sf);
	[smem:$0x710] =	sst s4  }
0x192: {  	v11 =	vcombine.low v11, v17;
	(v2sf) =	vpush v10, $0x1;
	v15 =	vsel vm7, s5, v15;
	s19 =	sshrl.u32 s1, $0x6;
	s5 =	spop (v2sf);
	[smem:$0x713] =	sst s7  }
0x193: {  	v17 =	vperm.xlane v20, v0;
	v20 =	vsel vm7, s2, v26;
	(v2sf) =	vpush v9, $0xC;
	s1 =	sadd.s32 $0x4, s24;
	s2 =	smulhi.u32 $0x51EB851F, s5;
	s4 =	spop (v2sf)  }
0x194: {  	s21 =	sshrl.u32 s0, $0x1F;
	(v2sf) =	vpush v9, $0x8;
	[dreg:$0x5] =	wrdreg s1;
	s3 =	smulhi.u32 $0x51EB851F, s4  }
0x195: {  	v12 =	vcombine.low v22, v12;
	v22 =	vsel vm7, s21, v28;
	(v2sf) =	vpush v9, $0x2;
	s21 =	smulhi.u32 $0x51EB851F, s6;
	[smem:$0x717] =	sst s2  }
0x196: {  	(v2sf) =	vpush v8, $0xC;
	[smem:$0x715] =	sst s3;
	s3 =	spop (v2sf)  }
0x197: {  	(v2sf) =	vpush v8, $0x8;
	s7 =	smulhi.u32 $0x51EB851F, s3;
	s2 =	spop (v2sf)  }
0x198: {  	p0 =	slt.u32 s1, $0x18C;
	(v2sf) =	vpush v8, $0x2;
	[smem:$0x714] =	sst s21;
	s1 =	spop (v2sf)  }
0x199: {  	[smem:$0x716] =	sst s7;
	s21 =	spop (v2sf)  }
0x19a: {  	v19 =	vsel vm7, s19, v19;
	s19 =	sshra.s32 s22, $0x1F;
	(v2sf) =	vpush v10, $0xC;
	[dreg:$0x1d] =	wrdreg s21  }
0x19b: {  	(v2sf) =	vpush v10, $0x8;
	s21 =	smul.u32 $0x51EB851F, s19;
	s19 =	spop (v2sf)  }
0x19c: {  	s17 =	sshra.s32 s17, $0x1F;
	(v2sf) =	vpush v10, $0x2;
	[dreg:$0x1f] =	wrdreg s19  }
0x19d: {  	(v2sf) =	vpush v9, $0xD;
	s19 =	smul.u32 $0x51EB851F, s17;
	s17 =	spop (v2sf)  }
0x19e: {  	[smem:$0x718] =	sst s17;
	s17 =	spop (v2sf)  }
0x19f: {  	s7 =	sshra.s32 s18, $0x1F;
	s18 =	sshra.s32 s26, $0x1F;
	[smem:$0x719] =	sst s17  }
0x1a0: {  	s17 =	smul.u32 $0x51EB851F, s18;
	s18 =	spop (v2sf)  }
0x1a1: {  	s0 =	sshrl.u32 s0, $0x6;
	[smem:$0x71A] =	sst s18;
	s18 =	spop (v2sf)  }
0x1a2: {  	v21 =	vsel vm7, s0, v21;
	s0 =	sshra.s32 s30, $0x1F;
	s30 =	spop (v2sf)  }
0x1a3: {  	s31 =	spop (v2sf)  }
0x1a4: {  	[smem:$0x71B] =	sst s18;
	s18 =	spop (v2sf)  }
0x1a5: {  	[smem:$0x71C] =	sst s18;
	s18 =	spop (v2sf)  }
0x1a6: {  	[dreg:$0x1a] =	wrdreg s18;
	s18 =	spop (v2sf)  }
0x1a7: {  	[dreg:$0x18] =	wrdreg s18;
	s18 =	spop (v2sf)  }
0x1a8: {  	s5 =	sshra.s32 s5, $0x1F;
	[dreg:$0x11] =	wrdreg s18  }
0x1a9: {  	s18 =	smul.u32 $0x51EB851F, s5;
	s5 =	spop (v2sf)  }
0x1aa: {  	[dreg:$0x17] =	wrdreg s5;
	s5 =	spop (v2sf)  }
0x1ab: {  	[dreg:$0x19] =	wrdreg s5;
	s5 =	spop (v2sf)  }
0x1ac: {  	[smem:$0x71D] =	sst s5;
	s5 =	spop (v2sf)  }
0x1ad: {  	v16 =	vcombine.low v16, v25;
	[dreg:$0x10] =	wrdreg s5  }
0x1ae: {  	s5 =	sld [smem:$0x70C]  }
0x1af: {  	v16 =	vperm.xlane v16, v0  }
0x1b0: {  	v13 =	vcombine.low v13, v27;
	v22 =	vperm.xlane v22, v2  }
0x1b1: {  	v18 =	vperm.xlane v18, v2;
	v20 =	vperm.xlane v20, v2;
	s23 =	sshra.s32 s23, $0x1F;
	s19 =	sadd.s32 s19, s5;
	s5 =	sld [smem:$0x70D]  }
0x1b2: {  	v21 =	vperm.xlane v21, v2;
	v12 =	vperm.xlane v12, v0;
	s23 =	smul.u32 $0x51EB851F, s23  }
0x1b3: {  	v17 =	vsel vm8, v18, v17;
	v16 =	vsel vm8, v20, v16;
	v15 =	vperm.xlane v15, v2  }
0x1b4: {  	v13 =	vperm.xlane v13, v0;
	v11 =	vperm.xlane v11, v0;
	v16 =	vadd.s32 v17, v16;
	s23 =	sadd.s32 s23, s5;
	s5 =	sld [smem:$0x70E]  }
0x1b5: {  	v12 =	vsel vm8, v15, v12;
	v15 =	vmul.u32 $0xC8, v16  }
0x1b6: {  	s28 =	smulhi.u32 $0x51EB851F, s22;
	v13 =	vsel vm8, v22, v13;
	v11 =	vsel vm8, v21, v11  }
0x1b7: {  	v11 =	vadd.s32 v13, v11;
	v13 =	vsub.s32 v4, v15;
	v4 =	vmov v9;
	s26 =	smul.u32 $0x51EB851F, s7;
	s5 =	sadd.s32 s17, s5;
	s17 =	sld [smem:$0x70F]  }
0x1b8: {  	s20 =	sshra.s32 s20, $0x1F;
	s7 =	smul.u32 $0x51EB851F, s0;
	(v2sf) =	vpush v4, $0x9  }
0x1b9: {  	s20 =	smul.u32 $0x51EB851F, s20  }
0x1ba: {  	s9 =	sshra.s32 s9, $0x1F;
	s17 =	sadd.s32 s7, s17;
	s7 =	sld [smem:$0x710]  }
0x1bb: {  	s25 =	sshra.s32 s25, $0x1F;
	s9 =	smul.u32 $0x51EB851F, s9  }
0x1bc: {  	s25 =	smul.u32 $0x51EB851F, s25  }
0x1bd: {  	s29 =	sshra.s32 s29, $0x1F;
	s9 =	sadd.s32 s9, s7;
	s7 =	sld [smem:$0x711]  }
0x1be: {  	v14 =	vperm.xlane v14, v0;
	v19 =	vperm.xlane v19, v2;
	s29 =	smul.u32 $0x51EB851F, s29  }
0x1bf: {  	s6 =	sshra.s32 s6, $0x1F;
	s24 =	smulhi.u32 $0x51EB851F, s2;
	s2 =	sshra.s32 s2, $0x1F  }
0x1c0: {  	v14 =	vsel vm8, v19, v14;
	s2 =	smul.u32 $0x51EB851F, s2;
	s20 =	sadd.s32 s20, s7;
	s7 =	sld [smem:$0x712]  }
0x1c1: {  	v11 =	vmul.u32 $0xC8, v11;
	v12 =	vadd.s32 v12, v14;
	s22 =	smulhi.u32 $0x51EB851F, s1;
	s1 =	sshra.s32 s1, $0x1F;
	s0 =	rddreg [dreg:$0x12]  }
0x1c2: {  	v12 =	vmul.u32 $0xC8, v12;
	s1 =	smul.u32 $0x51EB851F, s1;
	s2 =	sadd.s32 s2, s24;
	s24 =	sld [smem:$0x716]  }
0x1c3: {  	v11 =	vsub.s32 v5, v11;
	s6 =	smul.u32 $0x51EB851F, s6;
	v9 =	vshll.u32 v13, $0x7;
	s25 =	sadd.s32 s25, s7;
	s7 =	sld [smem:$0x713]  }
0x1c4: {  	v5 =	vmov v8;
	v8 =	vshll.u32 v11, $0x7;
	s3 =	sshra.s32 s3, $0x1F;
	v12 =	vsub.s32 v6, v12;
	[tilespmem:s0+$0xFFFFFFF0] =	vst v9;
	s1 =	sadd.s32 s1, s22;
	s22 =	sld [smem:$0x715]  }
0x1c5: {  	s4 =	sshra.s32 s4, $0x1F;
	s3 =	smul.u32 $0x51EB851F, s3;
	v9 =	vshll.u32 v12, $0x7;
	[tilespmem:s0+$0x0] =	vst v8;
	[smem:$0x722] =	sst s30  }
0x1c6: {  	[tilespmem:s0+$0x10] =	vst v9;
	s0 =	smul.u32 $0x51EB851F, s4;
	s29 =	sadd.s32 s29, s7;
	s7 =	sld [smem:$0x714]  }
0x1c7: {  	s21 =	sadd.s32 s21, s28;
	[smem:$0x723] =	sst s31;
	(v2sf) =	vpush v4, $0x3;
	s28 =	spop (v2sf)  }
0x1c8: {  	s3 =	sadd.s32 s3, s24;
	s24 =	sshra.s32 s2, $0x6;
	[smem:$0x731] =	sst s28  }
0x1c9: {  	s4 =	sadd.s32 s6, s7;
	s7 =	sadd.s32 s0, s22;
	s0 =	sshra.s32 s1, $0x1F  }
0x1ca: {  	(v2sf) =	vpush v5, $0xD;
	s6 =	sshrl.u32 s9, $0x1F;
	s9 =	sshra.s32 s9, $0x6;
	s22 =	sshrl.u32 s23, $0x1F;
	v8 =	vmov s0  }
0x1cb: {  	v9 =	vmov s6;
	s6 =	sshrl.u32 s29, $0x1F;
	v11 =	vmov s9;
	s9 =	sshra.s32 s3, $0x6;
	v8 =	vsel vm3, s24, v8;
	s24 =	sshra.s32 s2, $0x1F  }
0x1cc: {  	v6 =	vmov v10;
	v10 =	vmov s6;
	s2 =	sshrl.u32 s2, $0x1F;
	s6 =	sshra.s32 s29, $0x6;
	v9 =	vsel vm0, s22, v9;
	s22 =	sshra.s32 s7, $0x6  }
0x1cd: {  	(v2sf) =	vpush v5, $0x9;
	s29 =	sshra.s32 s30, $0x1F;
	s30 =	sshra.s32 s31, $0x1F;
	s31 =	sld [smem:$0x71C]  }
0x1ce: {  	v8 =	vsel vm9, s24, v8;
	s24 =	sshrl.u32 s20, $0x1F;
	v12 =	vmov s2;
	v13 =	vmov s6;
	s2 =	sshra.s32 s3, $0x1F;
	s6 =	sshra.s32 s23, $0x6  }
0x1cf: {  	(v2sf) =	vpush v5, $0x3;
	s23 =	sshrl.u32 s5, $0x1F;
	s5 =	sshra.s32 s5, $0x6;
	v10 =	vsel vm0, s24, v10;
	s24 =	sld [smem:$0x717]  }
0x1d0: {  	v8 =	vsel vm0, s9, v8;
	s9 =	sshra.s32 s20, $0x6;
	v11 =	vsel vm0, s6, v11;
	s6 =	sshra.s32 s7, $0x1F;
	v9 =	vsel vm1, s23, v9;
	s20 =	sshrl.u32 s17, $0x1F  }
0x1d1: {  	s23 =	sshrl.u32 s3, $0x1F;
	v8 =	vsel vm10, s2, v8;
	v13 =	vsel vm0, s9, v13;
	v10 =	vsel vm1, s20, v10;
	s9 =	sshrl.u32 s19, $0x1F;
	s20 =	sshrl.u32 s7, $0x1F  }
0x1d2: {  	v12 =	vnsel vm3, $0x0, v12;
	s7 =	rddreg [dreg:$0x13];
	v8 =	vsel vm1, s22, v8;
	v10 =	vsel vm2, s9, v10;
	s9 =	sshra.s32 s25, $0x1F;
	s18 =	sadd.s32 s18, s24  }
0x1d3: {  	v12 =	vsel vm0, s23, v12;
	v8 =	vsel vm11, s6, v8;
	s24 =	sshra.s32 s17, $0x6;
	s6 =	sshrl.u32 s21, $0x1F;
	s17 =	sshra.s32 s4, $0x6  }
0x1d4: {  	v12 =	vsel vm1, s20, v12;
	s22 =	sshra.s32 s18, $0x6;
	v13 =	vsel vm1, s24, v13;
	s23 =	sshrl.u32 s18, $0x1F;
	s24 =	sshra.s32 s19, $0x6  }
0x1d5: {  	v9 =	vsel vm2, s6, v9;
	s6 =	sshrl.u32 s4, $0x1F;
	v8 =	vsel vm2, s22, v8;
	s22 =	sshra.s32 s4, $0x1F;
	v12 =	vsel vm2, s23, v12;
	s23 =	rddreg [dreg:$0x1d]  }
0x1d6: {  	s4 =	sadd.s32 s26, s7;
	v13 =	vsel vm2, s24, v13;
	s26 =	spop (v2sf);
	s24 =	sld [smem:$0x71A]  }
0x1d7: {  	v11 =	vsel vm1, s5, v11;
	s21 =	sshra.s32 s21, $0x6;
	s5 =	sshra.s32 s18, $0x1F;
	[smem:$0x733] =	sst s26  }
0x1d8: {  	v9 =	vcombine.low v10, v9;
	v8 =	vsel vm12, s5, v8;
	s5 =	sshra.s32 s25, $0x6;
	v10 =	vsel vm4, s6, v12;
	s7 =	sshra.s32 s23, $0x1F;
	s6 =	sld [smem:$0x71B]  }
0x1d9: {  	v8 =	vsel vm4, s17, v8;
	s17 =	sshrl.u32 s25, $0x1F;
	s25 =	spop (v2sf);
	s0 =	smul.u32 $0x51EB851F, s7  }
0x1da: {  	s19 =	sshrl.u32 s4, $0x1F;
	s7 =	smulhi.u32 $0x51EB851F, s23;
	s23 =	rddreg [dreg:$0x1a];
	v8 =	vsel vm13, s22, v8;
	v10 =	vsel vm5, s17, v10  }
0x1db: {  	v11 =	vsel vm2, s21, v11;
	s21 =	sshrl.u32 s1, $0x1F;
	[smem:$0x735] =	sst s25;
	v8 =	vsel vm5, s5, v8;
	v10 =	vsel vm6, s19, v10  }
0x1dc: {  	s18 =	sshra.s32 s4, $0x6;
	v8 =	vsel vm14, s9, v8;
	v10 =	vsel vm7, s21, v10;
	s9 =	spop (v2sf);
	s21 =	sld [smem:$0x718]  }
0x1dd: {  	s20 =	sshra.s32 s4, $0x1F;
	v8 =	vsel vm6, s18, v8;
	[smem:$0x738] =	sst s9  }
0x1de: {  	s22 =	sshra.s32 s1, $0x6;
	v8 =	vsel vm15, s20, v8;
	s20 =	rddreg [dreg:$0x1f]  }
0x1df: {  	s19 =	spop (v2sf);
	s18 =	sld [smem:$0x719];
	s17 =	sshra.s32 s20, $0x1F  }
0x1e0: {  	v11 =	vcombine.low v13, v11;
	[smem:$0x739] =	sst s19;
	v8 =	vsel vm7, s22, v8;
	s22 =	sshra.s32 s21, $0x1F;
	s1 =	smul.u32 $0x51EB851F, s17  }
0x1e1: {  	s17 =	smul.u32 $0x51EB851F, s22;
	s22 =	sshra.s32 s23, $0x1F;
	s23 =	rddreg [dreg:$0x18]  }
0x1e2: {  	v9 =	vperm.xlane v9, v0;
	v11 =	vperm.xlane v11, v0;
	[smem:$0x71E] =	sst s22;
	s22 =	sshra.s32 s23, $0x1F  }
0x1e3: {  	s4 =	sshra.s32 s24, $0x1F;
	v10 =	vperm.xlane v10, v2;
	v8 =	vperm.xlane v8, v2;
	[smem:$0x71F] =	sst s22  }
0x1e4: {  	s20 =	smulhi.u32 $0x51EB851F, s20;
	s22 =	sadd.s32 s0, s7;
	s7 =	rddreg [dreg:$0x11]  }
0x1e5: {  	s2 =	sshra.s32 s6, $0x1F;
	v9 =	vsel vm8, v10, v9;
	v8 =	vsel vm8, v8, v11;
	s0 =	sshra.s32 s7, $0x1F;
	s7 =	rddreg [dreg:$0x19]  }
0x1e6: {  	s23 =	smulhi.u32 $0x51EB851F, s21;
	s1 =	sadd.s32 s1, s20;
	v8 =	vadd.s32 v9, v8;
	[smem:$0x720] =	sst s0  }
0x1e7: {  	s20 =	smul.u32 $0x51EB851F, s4;
	v8 =	vmul.u32 $0xC8, v8;
	s0 =	sshra.s32 s7, $0x1F;
	s7 =	sld [smem:$0x71D]  }
0x1e8: {  	s21 =	rddreg [dreg:$0x17];
	s4 =	smul.u32 $0x51EB851F, s2;
	s17 =	sadd.s32 s17, s23  }
0x1e9: {  	s23 =	rddreg [dreg:$0x6];
	s2 =	sshrl.u32 s1, $0x1F;
	s1 =	sshrl.u32 s1, $0x6;
	v7 =	vsub.s32 v7, v8  }
0x1ea: {  	v10 =	vmov s1;
	s1 =	sshrl.u32 s17, $0x6;
	[smem:$0x721] =	sst s0;
	v7 =	vshll.u32 v7, $0x7;
	s0 =	sshra.s32 s7, $0x1F  }
0x1eb: {  	[tilespmem:s23+$0xFFFFFFE0] =	vst v7;
	s23 =	sshrl.u32 s22, $0x1F;
	s22 =	sshrl.u32 s22, $0x6;
	s0 =	smul.u32 $0x51EB851F, s0  }
0x1ec: {  	(v2sf) =	vpush v6, $0xD;
	v7 =	vmov s23;
	v8 =	vmov s22;
	s22 =	smulhi.u32 $0x51EB851F, s24;
	s23 =	sshrl.u32 s17, $0x1F;
	s24 =	rddreg [dreg:$0x10]  }
0x1ed: {  	(v2sf) =	vpush v6, $0x9;
	v9 =	vmov s2;
	s17 =	smul.u32 $0x51EB851F, s29;
	s2 =	sshra.s32 s24, $0x1F;
	[smem:$0x737] =	sst s0  }
0x1ee: {  	[smem:$0x724] =	sst s2  }
0x1ef: {  	v11 =	vmov s23;
	s23 =	sshra.s32 s28, $0x1F;
	[smem:$0x729] =	sst s17  }
0x1f0: {  	s24 =	sshra.s32 s26, $0x1F;
	[smem:$0x725] =	sst s23  }
0x1f1: {  	(v2sf) =	vpush v6, $0x3;
	[smem:$0x726] =	sst s24  }
0x1f2: {  	s24 =	sld [smem:$0x71E]  }
0x1f3: {  	(v2sf) =	vpush v4, $0xE;
	s26 =	smul.u32 $0x51EB851F, s30;
	s2 =	sshra.s32 s25, $0x1F;
	s25 =	sld [smem:$0x71F]  }
0x1f4: {  	s17 =	sshra.s32 s9, $0x1F;
	s9 =	sld [smem:$0x720]  }
0x1f5: {  	s3 =	sshra.s32 s18, $0x1F;
	s18 =	smulhi.u32 $0x51EB851F, s18;
	[smem:$0x72B] =	sst s26  }
0x1f6: {  	(v2sf) =	vpush v4, $0xA;
	s3 =	smul.u32 $0x51EB851F, s3;
	[smem:$0x727] =	sst s2  }
0x1f7: {  	s5 =	sshra.s32 s31, $0x1F;
	s23 =	sshra.s32 s19, $0x1F;
	[smem:$0x728] =	sst s17  }
0x1f8: {  	s2 =	sadd.s32 s3, s18;
	s18 =	smul.u32 $0x51EB851F, s5;
	[smem:$0x72A] =	sst s23  }
0x1f9: {  	(v2sf) =	vpush v4, $0x4;
	s3 =	sadd.s32 s20, s22;
	s20 =	sld [smem:$0x721]  }
0x1fa: {  	v12 =	vmov s1;
	[smem:$0x72C] =	sst s18;
	s1 =	smul.u32 $0x51EB851F, s24  }
0x1fb: {  	(v2sf) =	vpush v5, $0xE;
	s24 =	spop (v2sf);
	s5 =	smul.u32 $0x51EB851F, s9  }
0x1fc: {  	s21 =	sshra.s32 s21, $0x1F;
	s26 =	spop (v2sf);
	[smem:$0x72E] =	sst s1  }
0x1fd: {  	s18 =	smul.u32 $0x51EB851F, s21;
	[smem:$0x73A] =	sst s26  }
0x1fe: {  	[smem:$0x732] =	sst s5  }
0x1ff: {  	(v2sf) =	vpush v5, $0xA;
	s1 =	smul.u32 $0x51EB851F, s25;
	[smem:$0x734] =	sst s18  }
0x200: {  	s23 =	sshra.s32 s24, $0x1F;
	s17 =	spop (v2sf);
	s25 =	sld [smem:$0x722]  }
0x201: {  	s23 =	smul.u32 $0x51EB851F, s23;
	[smem:$0x73B] =	sst s17  }
0x202: {  	s19 =	spop (v2sf);
	[smem:$0x730] =	sst s1  }
0x203: {  	(v2sf) =	vpush v5, $0x4;
	[smem:$0x747] =	sst s19  }
0x204: {  	s1 =	sshra.s32 s26, $0x1F;
	[smem:$0x752] =	sst s23  }
0x205: {  	s21 =	spop (v2sf);
	[smem:$0x72D] =	sst s1  }
0x206: {  	(v2sf) =	vpush v6, $0xE;
	s5 =	sshra.s32 s19, $0x1F;
	[smem:$0x74C] =	sst s21  }
0x207: {  	s1 =	sshra.s32 s17, $0x1F;
	[smem:$0x73C] =	sst s5  }
0x208: {  	s22 =	spop (v2sf);
	[smem:$0x72F] =	sst s1  }
0x209: {  	(v2sf) =	vpush v6, $0xA;
	[smem:$0x750] =	sst s22  }
0x20a: {  	s26 =	spop (v2sf);
	s0 =	sshra.s32 s22, $0x1F;
	s22 =	rddreg [dreg:$0x1a]  }
0x20b: {  	s1 =	smul.u32 $0x51EB851F, s20;
	[smem:$0x753] =	sst s26  }
0x20c: {  	s6 =	smulhi.u32 $0x51EB851F, s6;
	(v2sf) =	vpush v6, $0x4;
	[smem:$0x73E] =	sst s0  }
0x20d: {  	[smem:$0x736] =	sst s1  }
0x20e: {  	s9 =	spop (v2sf);
	s1 =	sadd.s32 s4, s6;
	s6 =	sld [smem:$0x723]  }
0x20f: {  	(v2sf) =	vpush v4, $0xF;
	s18 =	sshra.s32 s26, $0x1F;
	[smem:$0x756] =	sst s9  }
0x210: {  	[smem:$0x73F] =	sst s18  }
0x211: {  	s4 =	sshra.s32 s21, $0x1F;
	s18 =	rddreg [dreg:$0x17]  }
0x212: {  	s19 =	spop (v2sf);
	[smem:$0x73D] =	sst s4  }
0x213: {  	(v2sf) =	vpush v4, $0xB;
	s17 =	smulhi.u32 $0x51EB851F, s25;
	s25 =	sshra.s32 s9, $0x1F;
	[smem:$0x757] =	sst s19  }
0x214: {  	s20 =	smulhi.u32 $0x51EB851F, s31;
	[smem:$0x740] =	sst s25  }
0x215: {  	s26 =	spop (v2sf);
	s4 =	rddreg [dreg:$0x18]  }
0x216: {  	s31 =	smulhi.u32 $0x51EB851F, s18;
	s18 =	sld [smem:$0x724]  }
0x217: {  	s9 =	sshra.s32 s19, $0x1F;
	[smem:$0x758] =	sst s26  }
0x218: {  	(v2sf) =	vpush v4, $0x5;
	[smem:$0x741] =	sst s9;
	s19 =	spop (v2sf)  }
0x219: {  	s21 =	smulhi.u32 $0x51EB851F, s6;
	[smem:$0x759] =	sst s19  }
0x21a: {  	(v2sf) =	vpush v5, $0xF;
	s25 =	sshra.s32 s26, $0x1F;
	s6 =	smulhi.u32 $0x51EB851F, s22;
	s22 =	rddreg [dreg:$0x11]  }
0x21b: {  	[smem:$0x742] =	sst s25;
	s26 =	spop (v2sf)  }
0x21c: {  	s19 =	sshra.s32 s19, $0x1F;
	[smem:$0x75A] =	sst s26  }
0x21d: {  	s30 =	smulhi.u32 $0x51EB851F, s22;
	[smem:$0x743] =	sst s19  }
0x21e: {  	s19 =	spop (v2sf);
	s22 =	rddreg [dreg:$0x19]  }
0x21f: {  	s5 =	smul.u32 $0x51EB851F, s18;
	s18 =	sld [smem:$0x726]  }
0x220: {  	s25 =	sshra.s32 s26, $0x1F;
	[smem:$0x76B] =	sst s19  }
0x221: {  	v7 =	vnsel vm3, $0x0, v7;
	s26 =	sshrl.u32 s2, $0x1F;
	[smem:$0x746] =	sst s25  }
0x222: {  	(v2sf) =	vpush v5, $0xB;
	s9 =	spop (v2sf);
	v7 =	vsel vm0, s26, v7;
	s26 =	sld [smem:$0x725]  }
0x223: {  	s29 =	smulhi.u32 $0x51EB851F, s22;
	[smem:$0x76D] =	sst s9  }
0x224: {  	v8 =	vnsel vm3, $0x0, v8;
	s22 =	sshrl.u32 s2, $0x6;
	s19 =	sshra.s32 s19, $0x1F;
	[smem:$0x744] =	sst s5  }
0x225: {  	v8 =	vsel vm0, s22, v8;
	s5 =	sshrl.u32 s3, $0x1F;
	s22 =	sshrl.u32 s3, $0x6;
	s3 =	sld [smem:$0x727]  }
0x226: {  	(v2sf) =	vpush v5, $0x5;
	s25 =	smulhi.u32 $0x51EB851F, s7;
	[smem:$0x75B] =	sst s19  }
0x227: {  	(v2sf) =	vpush v6, $0xF;
	s7 =	spop (v2sf);
	s19 =	sld [smem:$0x738]  }
0x228: {  	(v2sf) =	vpush v6, $0xB;
	s9 =	sshra.s32 s9, $0x1F;
	[smem:$0x770] =	sst s7  }
0x229: {  	s28 =	spop (v2sf);
	[smem:$0x75C] =	sst s9  }
0x22a: {  	(v2sf) =	vpush v6, $0x5;
	s9 =	sld [smem:$0x739];
	s2 =	smul.u32 $0x51EB851F, s26  }
0x22b: {  	(v2sf) =	vpush v4, $0x6;
	[smem:$0x771] =	sst s28  }
0x22c: {  	(v2sf) =	vpush v5, $0x6;
	s7 =	sshra.s32 s7, $0x1F;
	[smem:$0x748] =	sst s2;
	s2 =	smul.u32 $0x51EB851F, s18  }
0x22d: {  	[smem:$0x75D] =	sst s7  }
0x22e: {  	[smem:$0x74A] =	sst s2  }
0x22f: {  	s2 =	smul.u32 $0x51EB851F, s3;
	s3 =	sld [smem:$0x728]  }
0x230: {  	s7 =	sld [smem:$0x73A]  }
0x231: {  	s26 =	spop (v2sf);
	[smem:$0x74D] =	sst s2  }
0x232: {  	v11 =	vnsel vm3, $0x0, v11;
	s18 =	sshrl.u32 s1, $0x1F;
	s2 =	smul.u32 $0x51EB851F, s3;
	s3 =	sld [smem:$0x729]  }
0x233: {  	v12 =	vnsel vm3, $0x0, v12;
	[smem:$0x772] =	sst s26;
	v11 =	vsel vm0, s18, v11;
	s18 =	sshrl.u32 s1, $0x6  }
0x234: {  	v9 =	vnsel vm3, $0x0, v9;
	v12 =	vsel vm0, s18, v12;
	s18 =	sld [smem:$0x72B]  }
0x235: {  	v10 =	vnsel vm3, $0x0, v10;
	v9 =	vsel vm0, s5, v9;
	s5 =	spop (v2sf);
	s3 =	sadd.s32 s3, s17;
	s17 =	sld [smem:$0x72A]  }
0x236: {  	v10 =	vsel vm0, s22, v10;
	[smem:$0x773] =	sst s5;
	s22 =	spop (v2sf)  }
0x237: {  	(v2sf) =	vpush v6, $0x6;
	s1 =	spop (v2sf);
	[smem:$0x74F] =	sst s2  }
0x238: {  	(v2sf) =	vpush v4, $0x7;
	s2 =	smul.u32 $0x51EB851F, s17;
	s17 =	sadd.s32 s18, s21;
	s18 =	sld [smem:$0x72C]  }
0x239: {  	[smem:$0x76C] =	sst s22;
	s0 =	spop (v2sf)  }
0x23a: {  	s23 =	spop (v2sf);
	[smem:$0x751] =	sst s2  }
0x23b: {  	s21 =	spop (v2sf);
	s2 =	sadd.s32 s18, s20;
	s20 =	sld [smem:$0x72D]  }
0x23c: {  	[dreg:$0xe] =	wrdreg s21  }
0x23d: {  	s21 =	sld [smem:$0x72F]  }
0x23e: {  	s5 =	sshra.s32 s5, $0x1F;
	s18 =	smul.u32 $0x51EB851F, s20;
	s20 =	sld [smem:$0x72E]  }
0x23f: {  	[smem:$0x761] =	sst s5  }
0x240: {  	(v2sf) =	vpush v5, $0x7;
	s5 =	sld [smem:$0x73F]  }
0x241: {  	[smem:$0x754] =	sst s18;
	s18 =	sadd.s32 s20, s6;
	s6 =	smul.u32 $0x51EB851F, s21  }
0x242: {  	(v2sf) =	vpush v6, $0x7;
	s20 =	rddreg [dreg:$0x10]  }
0x243: {  	[smem:$0x755] =	sst s6  }
0x244: {  	s6 =	smulhi.u32 $0x51EB851F, s20;
	s20 =	sld [smem:$0x730]  }
0x245: {  	s4 =	smulhi.u32 $0x51EB851F, s4;
	[dreg:$0xc] =	wrdreg s1;
	s1 =	sshra.s32 s1, $0x1F  }
0x246: {  	[smem:$0x767] =	sst s1;
	s21 =	spop (v2sf)  }
0x247: {  	[dreg:$0xb] =	wrdreg s0;
	s4 =	sadd.s32 s20, s4;
	s20 =	spop (v2sf)  }
0x248: {  	[smem:$0x76E] =	sst s20  }
0x249: {  	s0 =	sshra.s32 s0, $0x1F;
	s20 =	sld [smem:$0x731]  }
0x24a: {  	[smem:$0x76A] =	sst s0  }
0x24b: {  	[smem:$0x745] =	sst s6  }
0x24c: {  	s1 =	sshrl.u32 s17, $0x1F;
	s6 =	smulhi.u32 $0x51EB851F, s20;
	s20 =	sld [smem:$0x732]  }
0x24d: {  	[dreg:$0xd] =	wrdreg s23;
	v14 =	vmov s1;
	s1 =	sshrl.u32 s2, $0x6  }
0x24e: {  	v8 =	vsel vm1, s1, v8;
	s1 =	sld [smem:$0x751]  }
0x24f: {  	[smem:$0x749] =	sst s6;
	s6 =	sadd.s32 s20, s30;
	s20 =	spop (v2sf)  }
0x250: {  	[smem:$0x76F] =	sst s20  }
0x251: {  	s20 =	sld [smem:$0x733];
	s30 =	spop (v2sf)  }
0x252: {  	[dreg:$0x7] =	wrdreg s30  }
0x253: {  	s30 =	sld [smem:$0x735]  }
0x254: {  	[dreg:$0xf] =	wrdreg s21;
	s21 =	sshra.s32 s21, $0x1F;
	s20 =	smulhi.u32 $0x51EB851F, s20  }
0x255: {  	[smem:$0x7F7] =	sst s21  }
0x256: {  	s30 =	smulhi.u32 $0x51EB851F, s30;
	[smem:$0x74B] =	sst s20  }
0x257: {  	s20 =	sld [smem:$0x734]  }
0x258: {  	[smem:$0x74E] =	sst s30  }
0x259: {  	s30 =	sld [smem:$0x736]  }
0x25a: {  	s21 =	sld [smem:$0x758];
	s20 =	sadd.s32 s20, s31;
	s31 =	smulhi.u32 $0x51EB851F, s19  }
0x25b: {  	s19 =	sshra.s32 s26, $0x1F;
	s26 =	sshra.s32 s22, $0x1F;
	s22 =	sld [smem:$0x73C]  }
0x25c: {  	s30 =	sadd.s32 s30, s29;
	s29 =	sld [smem:$0x737]  }
0x25d: {  	[smem:$0x75F] =	sst s19  }
0x25e: {  	[smem:$0x764] =	sst s26  }
0x25f: {  	s26 =	smulhi.u32 $0x51EB851F, s7;
	s19 =	sld [smem:$0x73B];
	s7 =	sshrl.u32 s2, $0x1F  }
0x260: {  	v7 =	vsel vm1, s7, v7;
	s7 =	sshrl.u32 s4, $0x1F;
	s0 =	smul.u32 $0x51EB851F, s22;
	s22 =	sld [smem:$0x73E]  }
0x261: {  	v18 =	vmov s7;
	s7 =	sld [smem:$0x743];
	s29 =	sadd.s32 s29, s25;
	s25 =	sshra.s32 s28, $0x1F  }
0x262: {  	s28 =	smulhi.u32 $0x51EB851F, s19;
	s19 =	sshrl.u32 s17, $0x6;
	s17 =	sld [smem:$0x740]  }
0x263: {  	[smem:$0x75E] =	sst s25;
	s25 =	smulhi.u32 $0x51EB851F, s9;
	s9 =	sshrl.u32 s3, $0x1F  }
0x264: {  	s3 =	sshrl.u32 s3, $0x6;
	v13 =	vmov s9;
	s9 =	sld [smem:$0x73D]  }
0x265: {  	[smem:$0x760] =	sst s0;
	v15 =	vmov s3;
	s3 =	sshrl.u32 s20, $0x1F  }
0x266: {  	s2 =	sshrl.u32 s18, $0x1F;
	v16 =	vmov s19;
	s19 =	sshrl.u32 s4, $0x6;
	v23 =	vmov s3;
	s3 =	sld [smem:$0x746]  }
0x267: {  	s4 =	sld [smem:$0x742];
	s0 =	smul.u32 $0x51EB851F, s9;
	s9 =	sshrl.u32 s6, $0x1F  }
0x268: {  	s18 =	sshrl.u32 s18, $0x6;
	v19 =	vsel vm1, s9, v9;
	s9 =	sshrl.u32 s20, $0x6;
	s20 =	sld [smem:$0x744]  }
0x269: {  	v20 =	vmov s18;
	s18 =	smul.u32 $0x51EB851F, s3;
	s3 =	sld [smem:$0x74D]  }
0x26a: {  	[smem:$0x762] =	sst s0  }
0x26b: {  	s0 =	smul.u32 $0x51EB851F, s22;
	s22 =	sld [smem:$0x741]  }
0x26c: {  	v26 =	vmov s9;
	s9 =	sld [smem:$0x749]  }
0x26d: {  	[smem:$0x763] =	sst s0;
	s0 =	smul.u32 $0x51EB851F, s5  }
0x26e: {  	v17 =	vmov s2;
	s2 =	smul.u32 $0x51EB851F, s22;
	s22 =	sld [smem:$0x745]  }
0x26f: {  	s5 =	sshrl.u32 s30, $0x1F;
	[smem:$0x765] =	sst s0;
	s0 =	smul.u32 $0x51EB851F, s17  }
0x270: {  	v24 =	vmov s5;
	s5 =	sshrl.u32 s29, $0x6;
	s17 =	smul.u32 $0x51EB851F, s7;
	s7 =	sld [smem:$0x748]  }
0x271: {  	v63 =	vsel vm1, s5, v12;
	s5 =	sld [smem:$0x74E]  }
0x272: {  	[smem:$0x768] =	sst s2  }
0x273: {  	s2 =	sshrl.u32 s6, $0x6;
	s6 =	sshrl.u32 s29, $0x1F;
	[smem:$0x766] =	sst s0  }
0x274: {  	v25 =	vsel vm1, s6, v11;
	s6 =	sld [smem:$0x747]  }
0x275: {  	s0 =	smul.u32 $0x51EB851F, s4;
	s4 =	sadd.s32 s20, s22;
	s20 =	sld [smem:$0x74A]  }
0x276: {  	s22 =	sld [smem:$0x74B]  }
0x277: {  	v22 =	vsel vm1, s2, v10;
	s2 =	sld [smem:$0x74C]  }
0x278: {  	v21 =	vmov s19;
	s19 =	sshrl.u32 s30, $0x6;
	[smem:$0x769] =	sst s0  }
0x279: {  	v27 =	vmov s19;
	s19 =	smulhi.u32 $0x51EB851F, s6;
	s6 =	sld [smem:$0x74F]  }
0x27a: {  	s29 =	sadd.s32 s20, s22;
	s20 =	sld [smem:$0x750]  }
0x27b: {  	s9 =	sadd.s32 s7, s9;
	s7 =	smulhi.u32 $0x51EB851F, s2;
	s2 =	sld [smem:$0x752]  }
0x27c: {  	s24 =	smulhi.u32 $0x51EB851F, s24;
	s30 =	sadd.s32 s6, s31;
	s6 =	sld [smem:$0x754]  }
0x27d: {  	s22 =	sadd.s32 s3, s5;
	s3 =	smulhi.u32 $0x51EB851F, s20;
	s20 =	sld [smem:$0x755]  }
0x27e: {  	s25 =	sadd.s32 s1, s25;
	s5 =	sld [smem:$0x753];
	s0 =	sadd.s32 s2, s24  }
0x27f: {  	s2 =	sshrl.u32 s4, $0x1F;
	s24 =	sadd.s32 s6, s26;
	s26 =	rddreg [dreg:$0xe]  }
0x280: {  	s4 =	sshrl.u32 s4, $0x6;
	s31 =	sadd.s32 s20, s28;
	s20 =	sld [smem:$0x757]  }
0x281: {  	v29 =	vsel vm0, s2, v13;
	s2 =	smulhi.u32 $0x51EB851F, s21;
	s21 =	sld [smem:$0x759];
	s1 =	sshra.s32 s26, $0x1F  }
0x282: {  	v31 =	vsel vm0, s4, v15;
	s4 =	sshrl.u32 s22, $0x1F;
	[smem:$0x7F6] =	sst s1  }
0x283: {  	s1 =	sshrl.u32 s9, $0x1F;
	s6 =	smulhi.u32 $0x51EB851F, s20;
	s20 =	sshrl.u32 s29, $0x1F  }
0x284: {  	v7 =	vsel vm2, s20, v7;
	s20 =	sshrl.u32 s9, $0x6;
	s9 =	smulhi.u32 $0x51EB851F, s21;
	s21 =	sld [smem:$0x75B]  }
0x285: {  	s28 =	sshra.s32 s23, $0x1F;
	s23 =	sld [smem:$0x756];
	v30 =	vsel vm0, s1, v14;
	s1 =	sshrl.u32 s29, $0x6  }
0x286: {  	s26 =	sld [smem:$0x75A];
	v9 =	vsel vm2, s1, v8;
	v8 =	vsel vm0, s4, v17;
	s4 =	sshrl.u32 s25, $0x1F  }
0x287: {  	v16 =	vsel vm0, s20, v16;
	v10 =	vsel vm2, s4, v19;
	s4 =	sshrl.u32 s22, $0x6;
	s20 =	smul.u32 $0x51EB851F, s21;
	s21 =	sld [smem:$0x75C]  }
0x288: {  	s22 =	sld [smem:$0x75D];
	v17 =	vsel vm0, s4, v20;
	s4 =	sshrl.u32 s24, $0x1F;
	s24 =	sshrl.u32 s24, $0x6  }
0x289: {  	v14 =	vsel vm0, s24, v27;
	s24 =	sld [smem:$0x763]  }
0x28a: {  	[dreg:$0x14] =	wrdreg s20;
	s20 =	smul.u32 $0x51EB851F, s21;
	s21 =	sshrl.u32 s30, $0x6  }
0x28b: {  	v11 =	vsel vm0, s21, v21;
	s21 =	sshrl.u32 s25, $0x6;
	s25 =	sld [smem:$0x75E]  }
0x28c: {  	[dreg:$0x15] =	wrdreg s20;
	s20 =	smul.u32 $0x51EB851F, s22;
	s22 =	sshrl.u32 s0, $0x1F  }
0x28d: {  	v12 =	vsel vm0, s22, v23;
	s22 =	sld [smem:$0x75F]  }
0x28e: {  	[dreg:$0x16] =	wrdreg s20;
	s20 =	smul.u32 $0x51EB851F, s25  }
0x28f: {  	s25 =	sld [smem:$0x760]  }
0x290: {  	[dreg:$0x1b] =	wrdreg s20  }
0x291: {  	s20 =	smul.u32 $0x51EB851F, s22;
	s22 =	sld [smem:$0x762]  }
0x292: {  	v21 =	vsel vm2, s21, v22;
	v22 =	vsel vm0, s4, v24;
	s4 =	sadd.s32 s25, s19;
	s25 =	sld [smem:$0x764]  }
0x293: {  	[dreg:$0x1c] =	wrdreg s20  }
0x294: {  	s1 =	sshrl.u32 s30, $0x1F;
	s20 =	sld [smem:$0x761]  }
0x295: {  	v13 =	vsel vm0, s1, v18;
	s1 =	sadd.s32 s22, s7;
	s7 =	sld [smem:$0x766]  }
0x296: {  	s22 =	sadd.s32 s24, s3;
	s3 =	smul.u32 $0x51EB851F, s25;
	s25 =	sld [smem:$0x76A]  }
0x297: {  	s19 =	smul.u32 $0x51EB851F, s20;
	s20 =	sld [smem:$0x768]  }
0x298: {  	s23 =	smulhi.u32 $0x51EB851F, s23;
	[smem:$0x7E2] =	sst s3  }
0x299: {  	s3 =	sld [smem:$0x765]  }
0x29a: {  	s24 =	sadd.s32 s7, s23;
	s23 =	sld [smem:$0x769]  }
0x29b: {  	s7 =	sld [smem:$0x76E]  }
0x29c: {  	s26 =	smulhi.u32 $0x51EB851F, s26;
	s21 =	sshrl.u32 s31, $0x1F;
	[dreg:$0x1e] =	wrdreg s19  }
0x29d: {  	s0 =	sshrl.u32 s0, $0x6;
	v15 =	vsel vm2, s21, v25;
	s21 =	sshrl.u32 s31, $0x6;
	s19 =	sld [smem:$0x767]  }
0x29e: {  	s31 =	smul.u32 $0x51EB851F, s25;
	s25 =	sadd.s32 s18, s26;
	s26 =	sld [smem:$0x76C]  }
0x29f: {  	v18 =	vsel vm0, s0, v26;
	s0 =	sadd.s32 s20, s6;
	s6 =	sld [smem:$0x76D]  }
0x2a0: {  	s20 =	sld [smem:$0x770]  }
0x2a1: {  	s5 =	smulhi.u32 $0x51EB851F, s5;
	[dreg:$0xa] =	wrdreg s0  }
0x2a2: {  	s0 =	sadd.s32 s23, s2;
	s2 =	sld [smem:$0x76B]  }
0x2a3: {  	v19 =	vsel vm2, s21, v63;
	s21 =	sadd.s32 s3, s5;
	s3 =	sadd.s32 s17, s9;
	s17 =	sld [smem:$0x76F]  }
0x2a4: {  	[dreg:$0x9] =	wrdreg s0  }
0x2a5: {  	s18 =	sshrl.u32 s4, $0x1F;
	s29 =	smul.u32 $0x51EB851F, s19;
	[dreg:$0x8] =	wrdreg s3  }
0x2a6: {  	s4 =	sshrl.u32 s4, $0x6;
	s9 =	smulhi.u32 $0x51EB851F, s6;
	s6 =	rddreg [dreg:$0x7]  }
0x2a7: {  	s19 =	smulhi.u32 $0x51EB851F, s20;
	s3 =	sshra.s32 s6, $0x1F;
	s6 =	sld [smem:$0x772]  }
0x2a8: {  	v20 =	vsel vm1, s18, v29;
	s18 =	sshrl.u32 s22, $0x1F;
	s20 =	sld [smem:$0x771];
	s5 =	smulhi.u32 $0x51EB851F, s2  }
.Ltmp0:
0x2a9: {  	s23 =	smov.u32 s7;
	[smem:$0x7FA] =	sst s3;
	(pc) =	sbr.rel @p0 .LBB2_2-.Ltmp0, $4  }
0x2aa: {  	s3 =	smulhi.u32 $0x51EB851F, s6;
	s6 =	sshrl.u32 s22, $0x6;
	s22 =	sld [smem:$0x773]  }
0x2ab: {  	s30 =	smov.u32 s17;
	s0 =	sshra.s32 s17, $0x1F;
	s17 =	sshrl.u32 s1, $0x1F  }
0x2ac: {  	s1 =	sshrl.u32 s1, $0x6;
	v24 =	vsel vm1, s17, v30;
	s17 =	rddreg [dreg:$0x6];
	s20 =	smulhi.u32 $0x51EB851F, s20  }
0x2ad: {  	v25 =	vsel vm1, s4, v31;
	s7 =	sshra.s32 s7, $0x1F;
	v23 =	vsel vm4, s18, v7;
	v16 =	vsel vm1, s1, v16;
	s1 =	sadd.s32 $0x40, s17;
	s18 =	smulhi.u32 $0x51EB851F, s22  }
0x2ae: {  	s1 =	rddreg [dreg:$0x14]  }
0x2af: {  	s4 =	rddreg [dreg:$0x15]  }
0x2b0: {  	s17 =	rddreg [dreg:$0x16]  }
0x2b1: {  	s22 =	rddreg [dreg:$0x1b];
	s28 =	smul.u32 $0x51EB851F, s28  }
0x2b2: {  	s2 =	sadd.s32 s1, s5;
	s17 =	sadd.s32 s17, s19;
	s19 =	rddreg [dreg:$0xc]  }
0x2b3: {  	s1 =	smulhi.u32 $0x51EB851F, s26;
	s9 =	sadd.s32 s4, s9;
	s26 =	rddreg [dreg:$0x1c]  }
0x2b4: {  	s4 =	smov.u32 s21;
	s21 =	sadd.s32 s22, s20;
	s22 =	rddreg [dreg:$0x1e]  }
0x2b5: {  	s5 =	smulhi.u32 $0x51EB851F, s19;
	s19 =	rddreg [dreg:$0xb]  }
0x2b6: {  	s20 =	sadd.s32 s26, s3;
	s26 =	sld [smem:$0x7E2]  }
0x2b7: {  	[smem:$0x704] =	sst s28  }
0x2b8: {  	s3 =	smulhi.u32 $0x51EB851F, s19;
	s19 =	sadd.s32 s22, s18;
	s18 =	rddreg [dreg:$0x9]  }
0x2b9: {  	s22 =	sadd.s32 s29, s5;
	s5 =	rddreg [dreg:$0xd]  }
0x2ba: {  	s1 =	sadd.s32 s26, s1;
	s26 =	sadd.s32 s31, s3;
	s31 =	sld [smem:$0x7F6]  }
0x2bb: {  	s29 =	smov.u32 s24;
	[smem:$0x708] =	sst s22  }
0x2bc: {  	s24 =	sshrl.u32 s4, $0x6;
	s22 =	sshrl.u32 s4, $0x1F;
	s4 =	rddreg [dreg:$0xa]  }
0x2bd: {  	[smem:$0x705] =	sst s1;
	s3 =	smul.u32 $0x51EB851F, s31  }
0x2be: {  	s7 =	smul.u32 $0x51EB851F, s7;
	[smem:$0x709] =	sst s26  }
0x2bf: {  	s0 =	smul.u32 $0x51EB851F, s0;
	[smem:$0x706] =	sst s3  }
0x2c0: {  	s28 =	sshrl.u32 s29, $0x6;
	v50 =	vsel vm1, s24, v17;
	s24 =	sshrl.u32 s21, $0x6;
	s3 =	sld [smem:$0x7F7]  }
0x2c1: {  	s26 =	sshrl.u32 s29, $0x1F;
	s29 =	sshrl.u32 s4, $0x1F;
	s4 =	sshrl.u32 s4, $0x6  }
0x2c2: {  	v8 =	vsel vm1, s22, v8;
	v11 =	vsel vm1, s28, v11;
	s28 =	sshrl.u32 s9, $0x1F;
	s22 =	sld [smem:$0x704];
	s31 =	smulhi.u32 $0x51EB851F, s5  }
0x2c3: {  	v49 =	vsel vm1, s26, v13;
	s26 =	sshrl.u32 s25, $0x6;
	v53 =	vsel vm2, s28, v24;
	s28 =	sld [smem:$0x705];
	s1 =	smul.u32 $0x51EB851F, s3  }
0x2c4: {  	s5 =	sshrl.u32 s18, $0x1F;
	s18 =	sshrl.u32 s18, $0x6;
	s3 =	rddreg [dreg:$0xe]  }
0x2c5: {  	v7 =	vsel vm4, s6, v9;
	v18 =	vsel vm1, s18, v18;
	s18 =	sshrl.u32 s20, $0x1F;
	[smem:$0x70A] =	sst s1;
	s1 =	smulhi.u32 $0x51EB851F, s3  }
0x2c6: {  	v10 =	vsel vm4, s29, v10;
	v51 =	vsel vm4, s4, v21;
	s29 =	sshrl.u32 s9, $0x6;
	s4 =	sshrl.u32 s17, $0x1F;
	v9 =	vsel vm2, s18, v49;
	s18 =	sld [smem:$0x708]  }
0x2c7: {  	s9 =	sshrl.u32 s17, $0x6;
	s17 =	sshrl.u32 s21, $0x1F;
	[smem:$0x707] =	sst s1  }
0x2c8: {  	v12 =	vsel vm1, s5, v12;
	s5 =	smulhi.u32 $0x51EB851F, s23;
	s23 =	sshrl.u32 s19, $0x1F;
	s1 =	rddreg [dreg:$0x8]  }
0x2c9: {  	v13 =	vsel vm2, s24, v50;
	s3 =	sshrl.u32 s1, $0x1F;
	s6 =	sshrl.u32 s1, $0x6;
	s1 =	rddreg [dreg:$0xf]  }
0x2ca: {  	v19 =	vsel vm4, s26, v19;
	v23 =	vsel vm5, s4, v23;
	s26 =	sshrl.u32 s19, $0x6;
	v10 =	vsel vm5, s23, v10;
	s23 =	sld [smem:$0x709];
	s1 =	smulhi.u32 $0x51EB851F, s1  }
0x2cb: {  	v16 =	vsel vm2, s29, v16;
	v8 =	vsel vm2, s17, v8;
	v52 =	vsel vm1, s3, v22;
	s3 =	sadd.s32 s22, s31;
	s22 =	smulhi.u32 $0x51EB851F, s30;
	s30 =	sld [smem:$0x706]  }
0x2cc: {  	v7 =	vsel vm5, s9, v7;
	v17 =	vsel vm5, s26, v51;
	s29 =	sshrl.u32 s28, $0x1F;
	v8 =	vcombine.low v9, v8;
	s21 =	sshrl.u32 s18, $0x1F;
	s31 =	sld [smem:$0x707]  }
0x2cd: {  	v12 =	vsel vm2, s29, v12;
	s24 =	sshrl.u32 s23, $0x1F;
	s26 =	sshrl.u32 s18, $0x6;
	v14 =	vsel vm1, s6, v14;
	v21 =	vsel vm2, s21, v52;
	[smem:$0x70B] =	sst s1  }
0x2ce: {  	v8 =	vperm.xlane v8, v0;
	v14 =	vsel vm2, s26, v14;
	s1 =	sshrl.u32 s25, $0x1F;
	s25 =	sshrl.u32 s2, $0x1F;
	s2 =	sshrl.u32 s2, $0x6;
	v56 =	vcombine.low v21, v12  }
0x2cf: {  	v15 =	vsel vm4, s1, v15;
	v20 =	vsel vm2, s25, v20;
	v54 =	vsel vm2, s2, v25;
	s25 =	sshrl.u32 s20, $0x6;
	s9 =	sadd.s32 s30, s31;
	s31 =	sshrl.u32 s3, $0x1F  }
0x2d0: {  	s29 =	sld [smem:$0x70A];
	s3 =	sshrl.u32 s3, $0x6;
	s20 =	sadd.s32 s7, s5;
	v11 =	vsel vm2, s25, v11;
	v15 =	vsel vm5, s24, v15;
	v23 =	vsel vm6, s31, v23  }
0x2d1: {  	s25 =	sshrl.u32 s28, $0x6;
	s28 =	sshrl.u32 s23, $0x6;
	s18 =	sshrl.u32 s9, $0x1F;
	v7 =	vsel vm6, s3, v7;
	v20 =	vcombine.low v53, v20;
	v16 =	vcombine.low v16, v54  }
0x2d2: {  	s30 =	sld [smem:$0x70B];
	s19 =	sshrl.u32 s9, $0x6;
	s1 =	sshrl.u32 s20, $0x6;
	v19 =	vsel vm5, s28, v19;
	v18 =	vsel vm2, s25, v18;
	v10 =	vsel vm6, s18, v10  }
0x2d3: {  	s0 =	sadd.s32 s0, s22;
	s24 =	sld [smem:$0x7FA];
	v17 =	vsel vm6, s19, v17;
	s25 =	sshrl.u32 s20, $0x1F;
	v55 =	vcombine.low v11, v13;
	v7 =	vsel vm7, s1, v7  }
0x2d4: {  	s26 =	rddreg [dreg:$0x7];
	s28 =	sshrl.u32 s0, $0x1F;
	v11 =	vperm.xlane v56, v0;
	v23 =	vsel vm7, s25, v23;
	v57 =	vcombine.low v14, v18  }
0x2d5: {  	s3 =	smulhi.u32 $0x51EB851F, s26;
	s0 =	sshrl.u32 s0, $0x6;
	v10 =	vsel vm7, s28, v10;
	v58 =	vperm.xlane v20, v0;
	v7 =	vperm.xlane v7, v2  }
0x2d6: {  	s6 =	sadd.s32 s29, s30;
	v17 =	vsel vm7, s0, v17;
	v16 =	vperm.xlane v16, v0;
	s2 =	smul.u32 $0x51EB851F, s24;
	v59 =	vperm.xlane v23, v2  }
0x2d7: {  	s21 =	sshrl.u32 s6, $0x1F;
	s23 =	sshrl.u32 s6, $0x6;
	v10 =	vperm.xlane v10, v2;
	v17 =	vperm.xlane v17, v2  }
0x2d8: {  	v9 =	vperm.xlane v55, v0;
	v15 =	vsel vm6, s21, v15;
	v19 =	vsel vm6, s23, v19;
	s2 =	sadd.s32 s2, s3  }
0x2d9: {  	v12 =	vperm.xlane v57, v0;
	v7 =	vsel vm8, v7, v16;
	v13 =	vsel vm8, v59, v58;
	s29 =	sshrl.u32 s2, $0x1F;
	s30 =	sshrl.u32 s2, $0x6  }
0x2da: {  	v8 =	vsel vm8, v10, v8;
	v15 =	vsel vm7, s29, v15;
	v60 =	vsel vm7, s30, v19  }
0x2db: {  	v9 =	vsel vm8, v17, v9;
	v15 =	vperm.xlane v15, v2;
	v18 =	vperm.xlane v60, v2  }
0x2dc: {  	v7 =	vadd.s32 v13, v7;
	v8 =	vadd.s32 v8, v9  }
0x2dd: {  	v7 =	vmul.u32 $0xC8, v7;
	v61 =	vsel vm8, v15, v11;
	v62 =	vsel vm8, v18, v12  }
0x2de: {  	v8 =	vmul.u32 $0xC8, v8;
	v63 =	vadd.s32 v61, v62  }
0x2df: {  	v4 =	vsub.s32 v4, v7;
	v9 =	vmul.u32 $0xC8, v63  }
0x2e0: {  	s31 =	rddreg [dreg:$0x4];
	v5 =	vsub.s32 v5, v8;
	v4 =	vshll.u32 v4, $0x7  }
0x2e1: {  	[tilespmem:s31+$0xFFFFFFF0] =	vst v4;
	v4 =	vshll.u32 v5, $0x7;
	v6 =	vsub.s32 v6, v9  }
0x2e2: {  	s4 =	rddreg [dreg:$0x2];
	s17 =	simm.s32 $0x83;
	[tilespmem:s31+$0x0] =	vst v4;
	v5 =	vshll.u32 v6, $0x7  }
0x2e3: {  	s5 =	simm.s32 $0x0;
	s7 =	simm.s32 $0x7D80;
	s9 =	simm.s32 $0xBD80;
	[tilespmem:s31+$0x10] =	vst v5  }
0x2e4: {  	s18 =	simm.s32 $0x2;
	s19 =	simm.s32 $0x0;
	s6 =	sld [smem:$0x7FD]  }
.LBB2_4:
0x2e5: {  	p0 =	seq.s32 s19, $0x0  }
0x2e6: {  	s0 =	simm.s32 @!p0 $0x1  }
0x2e7: {  	_ =	swait.ge @!p0 [sflag:s0], $0x4000  }
0x2e8: {  	[sflag:s0] =	ssyncset.done @!p0 $0x0  }
0x2e9: {  	[sflag:s0] =	ssyncadd.s32 @!p0 $0xFFFFC000  }
0x2ea: {  	v4 =	vld [tilespmem:s18+$0x1];
	_ =	sdelay $0x4  }
0x2eb: {  	v4 =	vperm.xlane v4, v3;
	_ =	sdelay $0x1  }
0x2ec: {  	v4 =	vadd.s32 v1, v4  }
0x2ed: {  	v5 =	vld [tilespmem:s18+$0xFFFFFFFE];
	_ =	sdelay $0x1  }
0x2ee: {  	v6 =	vld [tilespmem:s18+$0xFFFFFFFF]  }
0x2ef: {  	v10 =	vld [tilespmem:s18+$0x0]  }
0x2f0: {  	v7 =	vld.idx.msk [tilespmem:v4+s8+$0x0], $0xffff  }
0x2f1: {  	v5 =	vperm.xlane v5, v3;
	v8 =	vld.idx.msk [tilespmem:v4+s16+$0x0], $0xffff  }
0x2f2: {  	v9 =	vld.idx.msk [tilespmem:v4+s10+$0x0], $0xffff  }
0x2f3: {  	v5 =	vadd.s32 v1, v5;
	v11 =	vld.idx.msk [tilespmem:v4+s11+$0x0], $0xffff  }
0x2f4: {  	v12 =	vld.idx.msk [tilespmem:v4+s12+$0x0], $0xffff  }
0x2f5: {  	v13 =	vld.idx.msk [tilespmem:v4+s13+$0x0], $0xffff  }
0x2f6: {  	s1 =	simm.s32 $0x7E80;
	v6 =	vperm.xlane v6, v3;
	v14 =	vld.idx.msk [tilespmem:v4+s14+$0x0], $0xffff  }
0x2f7: {  	v4 =	vld.idx.msk [tilespmem:v4+s15+$0x0], $0xffff;
	[tilespmem:s1+$0xF0] =	vst v8  }
0x2f8: {  	v15 =	vadd.s32 v1, v6;
	v6 =	vld.idx.msk [tilespmem:v5+s12+$0x0], $0xffff;
	[tilespmem:s1+$0x80] =	vst v7  }
0x2f9: {  	v60 =	vld.idx.msk [tilespmem:v5+s13+$0x0], $0xffff;
	[tilespmem:s1+$0x90] =	vst v9  }
0x2fa: {  	v61 =	vld.idx.msk [tilespmem:v5+s14+$0x0], $0xffff;
	[tilespmem:s1+$0xA0] =	vst v11  }
0x2fb: {  	v62 =	vld.idx.msk [tilespmem:v5+s15+$0x0], $0xffff;
	[tilespmem:s1+$0xB0] =	vst v12  }
0x2fc: {  	v8 =	vld.idx.msk [tilespmem:v5+s8+$0x0], $0xffff;
	[tilespmem:s1+$0xC0] =	vst v13  }
0x2fd: {  	v7 =	vld.idx.msk [tilespmem:v5+s10+$0x0], $0xffff;
	[tilespmem:s1+$0xD0] =	vst v14  }
0x2fe: {  	v9 =	vld.idx.msk [tilespmem:v5+s11+$0x0], $0xffff;
	[tilespmem:s1+$0xE0] =	vst v4  }
0x2ff: {  	v4 =	vld.idx.msk [tilespmem:v5+s16+$0x0], $0xffff;
	[tilespmem:s1+$0xFFFFFF30] =	vst v6  }
0x300: {  	v16 =	vld.idx.msk [tilespmem:v15+s8+$0x0], $0xffff;
	[tilespmem:s1+$0xFFFFFF40] =	vst v60  }
0x301: {  	v63 =	vperm.xlane v10, v3;
	v10 =	vld.idx.msk [tilespmem:v15+s15+$0x0], $0xffff;
	[tilespmem:s1+$0xFFFFFF50] =	vst v61  }
0x302: {  	v11 =	vld.idx.msk [tilespmem:v15+s10+$0x0], $0xffff;
	[tilespmem:s1+$0xFFFFFF60] =	vst v62  }
0x303: {  	v6 =	vld.idx.msk [tilespmem:v15+s12+$0x0], $0xffff;
	[tilespmem:s1+$0xFFFFFF00] =	vst v8  }
0x304: {  	[tilespmem:s1+$0xFFFFFF10] =	vst v7;
	v8 =	vld.idx.msk [tilespmem:v15+s11+$0x0], $0xffff  }
0x305: {  	v5 =	vld.idx.msk [tilespmem:v15+s16+$0x0], $0xffff;
	[tilespmem:s1+$0xFFFFFF20] =	vst v9  }
0x306: {  	v7 =	vld.idx.msk [tilespmem:v15+s13+$0x0], $0xffff;
	[tilespmem:s1+$0xFFFFFF70] =	vst v4  }
0x307: {  	s2 =	simm.s32 $0x0;
	s3 =	sadd.s32 $0x4, s18;
	s0 =	sshll.u32 s19, $0x1;
	v9 =	vld.idx.msk [tilespmem:v15+s14+$0x0], $0xffff;
	v4 =	vadd.s32 v1, v63;
	[tilespmem:s1+$0xFFFFFF80] =	vst v16  }
.LBB2_5:
0x308: {  	v12 =	vld [tilespmem:s3+$0x1];
	[tilespmem:s1+$0xFFFFFF90] =	vst v11  }
0x309: {  	s2 =	sadd.s32 $0x4, s2;
	v11 =	vld [tilespmem:s3+$0xFFFFFFFF];
	[tilespmem:s1+$0xFFFFFFA0] =	vst v8  }
0x30a: {  	p1 =	slt.u32 s2, $0x7C;
	v8 =	vld [tilespmem:s3+$0x0];
	[tilespmem:s1+$0xFFFFFFB0] =	vst v6  }
0x30b: {  	v6 =	vld [tilespmem:s3+$0xFFFFFFFE];
	[tilespmem:s1+$0xFFFFFFC0] =	vst v7  }
0x30c: {  	[tilespmem:s1+$0xFFFFFFD0] =	vst v9;
	v7 =	vld.idx.msk [tilespmem:v4+s8+$0x0], $0xffff  }
0x30d: {  	v9 =	vperm.xlane v12, v3;
	[tilespmem:s1+$0xFFFFFFE0] =	vst v10;
	v10 =	vld.idx.msk [tilespmem:v4+s10+$0x0], $0xffff  }
0x30e: {  	v11 =	vperm.xlane v11, v3;
	[tilespmem:s1+$0xFFFFFFF0] =	vst v5;
	v5 =	vld.idx.msk [tilespmem:v4+s11+$0x0], $0xffff  }
0x30f: {  	v8 =	vperm.xlane v8, v3;
	v9 =	vadd.s32 v1, v9;
	v12 =	vld.idx.msk [tilespmem:v4+s12+$0x0], $0xffff  }
0x310: {  	v6 =	vperm.xlane v6, v3;
	v13 =	vadd.s32 v1, v11;
	v11 =	vld.idx.msk [tilespmem:v4+s13+$0x0], $0xffff  }
0x311: {  	v8 =	vadd.s32 v1, v8;
	v14 =	vld.idx.msk [tilespmem:v4+s14+$0x0], $0xffff  }
0x312: {  	v6 =	vadd.s32 v1, v6;
	v15 =	vld.idx.msk [tilespmem:v4+s15+$0x0], $0xffff  }
0x313: {  	v16 =	vld.idx.msk [tilespmem:v4+s16+$0x0], $0xffff;
	[tilespmem:s1+$0x0] =	vst v7;
	v4 =	vmov v8  }
0x314: {  	v7 =	vld.idx.msk [tilespmem:v9+s8+$0x0], $0xffff;
	[tilespmem:s1+$0x10] =	vst v10  }
0x315: {  	v8 =	vld.idx.msk [tilespmem:v9+s16+$0x0], $0xffff;
	[tilespmem:s1+$0x20] =	vst v5  }
0x316: {  	v5 =	vld.idx.msk [tilespmem:v9+s10+$0x0], $0xffff;
	[tilespmem:s1+$0x30] =	vst v12  }
0x317: {  	v10 =	vld.idx.msk [tilespmem:v9+s11+$0x0], $0xffff;
	[tilespmem:s1+$0x40] =	vst v11  }
0x318: {  	v11 =	vld.idx.msk [tilespmem:v9+s12+$0x0], $0xffff;
	[tilespmem:s1+$0x50] =	vst v14  }
0x319: {  	v12 =	vld.idx.msk [tilespmem:v9+s13+$0x0], $0xffff;
	[tilespmem:s1+$0x60] =	vst v15  }
0x31a: {  	v14 =	vld.idx.msk [tilespmem:v9+s14+$0x0], $0xffff;
	[tilespmem:s1+$0x70] =	vst v16;
	s1 =	sadd.s32 $0x200, s1  }
0x31b: {  	v9 =	vld.idx.msk [tilespmem:v9+s15+$0x0], $0xffff;
	[tilespmem:s1+$0xF0] =	vst v8  }
0x31c: {  	v8 =	vld.idx.msk [tilespmem:v6+s8+$0x0], $0xffff;
	[tilespmem:s1+$0x80] =	vst v7  }
0x31d: {  	v7 =	vld.idx.msk [tilespmem:v6+s10+$0x0], $0xffff;
	[tilespmem:s1+$0x90] =	vst v5  }
0x31e: {  	v5 =	vld.idx.msk [tilespmem:v6+s11+$0x0], $0xffff;
	[tilespmem:s1+$0xA0] =	vst v10  }
0x31f: {  	v10 =	vld.idx.msk [tilespmem:v6+s12+$0x0], $0xffff;
	[tilespmem:s1+$0xB0] =	vst v11  }
0x320: {  	v15 =	vld.idx.msk [tilespmem:v6+s13+$0x0], $0xffff;
	[tilespmem:s1+$0xC0] =	vst v12  }
0x321: {  	v12 =	vld.idx.msk [tilespmem:v6+s14+$0x0], $0xffff;
	[tilespmem:s1+$0xD0] =	vst v14  }
0x322: {  	v14 =	vld.idx.msk [tilespmem:v6+s15+$0x0], $0xffff;
	[tilespmem:s1+$0xE0] =	vst v9  }
0x323: {  	v16 =	vld.idx.msk [tilespmem:v6+s16+$0x0], $0xffff;
	[tilespmem:s1+$0xFFFFFF00] =	vst v8  }
0x324: {  	[tilespmem:s1+$0xFFFFFF10] =	vst v7;
	v17 =	vld.idx.msk [tilespmem:v13+s8+$0x0], $0xffff  }
0x325: {  	[tilespmem:s1+$0xFFFFFF20] =	vst v5;
	v11 =	vld.idx.msk [tilespmem:v13+s10+$0x0], $0xffff  }
0x326: {  	[tilespmem:s1+$0xFFFFFF30] =	vst v10;
	v8 =	vld.idx.msk [tilespmem:v13+s11+$0x0], $0xffff  }
.Ltmp1:
0x327: {  	[tilespmem:s1+$0xFFFFFF40] =	vst v15;
	v6 =	vld.idx.msk [tilespmem:v13+s12+$0x0], $0xffff;
	(pc) =	sbr.rel @p1 .LBB2_5-.Ltmp1, $4  }
0x328: {  	[tilespmem:s1+$0xFFFFFF50] =	vst v12;
	v7 =	vld.idx.msk [tilespmem:v13+s13+$0x0], $0xffff  }
0x329: {  	[tilespmem:s1+$0xFFFFFF60] =	vst v14;
	v9 =	vld.idx.msk [tilespmem:v13+s14+$0x0], $0xffff  }
0x32a: {  	[tilespmem:s1+$0xFFFFFF70] =	vst v16;
	v10 =	vld.idx.msk [tilespmem:v13+s15+$0x0], $0xffff  }
0x32b: {  	s3 =	sadd.s32 $0x4, s3;
	v5 =	vld.idx.msk [tilespmem:v13+s16+$0x0], $0xffff;
	[tilespmem:s1+$0xFFFFFF80] =	vst v17  }
0x32c: {  	_ =	sdelay $0x3  }
0x32d: {  	v12 =	vld.idx.msk [tilespmem:v4+s8+$0x0], $0xffff;
	[tilespmem:s1+$0xFFFFFF90] =	vst v11  }
0x32e: {  	v11 =	vld.idx.msk [tilespmem:v4+s10+$0x0], $0xffff;
	[tilespmem:s1+$0xFFFFFFA0] =	vst v8  }
0x32f: {  	v8 =	vld.idx.msk [tilespmem:v4+s11+$0x0], $0xffff;
	[tilespmem:s1+$0xFFFFFFB0] =	vst v6  }
0x330: {  	v6 =	vld.idx.msk [tilespmem:v4+s12+$0x0], $0xffff;
	[tilespmem:s1+$0xFFFFFFC0] =	vst v7  }
0x331: {  	v7 =	vld.idx.msk [tilespmem:v4+s13+$0x0], $0xffff;
	[tilespmem:s1+$0xFFFFFFD0] =	vst v9  }
0x332: {  	v9 =	vld.idx.msk [tilespmem:v4+s14+$0x0], $0xffff;
	[tilespmem:s1+$0xFFFFFFE0] =	vst v10  }
0x333: {  	v10 =	vld.idx.msk [tilespmem:v4+s15+$0x0], $0xffff;
	[tilespmem:s1+$0xFFFFFFF0] =	vst v5  }
0x334: {  	v4 =	vld.idx.msk [tilespmem:v4+s16+$0x0], $0xffff;
	[tilespmem:s1+$0x0] =	vst v12  }
0x335: {  	[tilespmem:s1+$0x10] =	vst v11  }
0x336: {  	[tilespmem:s1+$0x20] =	vst v8  }
0x337: {  	[tilespmem:s1+$0x30] =	vst v6  }
0x338: {  	s2 =	sshll.u32 s19, $0xF;
	[tilespmem:s1+$0x40] =	vst v7  }
0x339: {  	s2 =	sadd.s32 s6, s2;
	[tilespmem:s1+$0x50] =	vst v9  }
0x33a: {  	s2 =	sshrl.u32 s2, $0x3;
	[tilespmem:s1+$0x60] =	vst v10  }
0x33b: {  	s31 =	sadd.s32 s4, s2;
	[tilespmem:s1+$0x70] =	vst v4;
	s1 =	simm.s32 @!p0 $0x2  }
0x33c: {  	[hbm4b:s31+s5] =	stream.linear.scatter [tilespmem:s7], [sflag:$0x1], $0x4000, $0x38;
	[tilespmem:$0xFD80] =	vst v63  }
0x33d: {  	_ =	swait.ge @!p0 [sflag:s1], $0x4000  }
0x33e: {  	[sflag:s1] =	ssyncset.done @!p0 $0x0  }
0x33f: {  	[sflag:s1] =	ssyncadd.s32 @!p0 $0xFFFFC000  }
0x340: {  	v4 =	vld [tilespmem:s17+$0x0];
	_ =	sdelay $0x4  }
0x341: {  	v4 =	vperm.xlane v4, v3;
	_ =	sdelay $0x1  }
0x342: {  	v4 =	vadd.s32 v1, v4  }
0x343: {  	v5 =	vld [tilespmem:s17+$0xFFFFFFFD];
	_ =	sdelay $0x1  }
0x344: {  	v6 =	vld [tilespmem:s17+$0xFFFFFFFE]  }
0x345: {  	v10 =	vld [tilespmem:s17+$0xFFFFFFFF]  }
0x346: {  	v7 =	vld.idx.msk [tilespmem:v4+s8+$0x0], $0xffff  }
0x347: {  	v5 =	vperm.xlane v5, v3;
	v8 =	vld.idx.msk [tilespmem:v4+s16+$0x0], $0xffff  }
0x348: {  	v9 =	vld.idx.msk [tilespmem:v4+s10+$0x0], $0xffff  }
0x349: {  	v5 =	vadd.s32 v1, v5;
	v11 =	vld.idx.msk [tilespmem:v4+s11+$0x0], $0xffff  }
0x34a: {  	v59 =	vld.idx.msk [tilespmem:v4+s12+$0x0], $0xffff  }
0x34b: {  	v13 =	vld.idx.msk [tilespmem:v4+s13+$0x0], $0xffff  }
0x34c: {  	s1 =	simm.s32 $0xBE80;
	v6 =	vperm.xlane v6, v3;
	v14 =	vld.idx.msk [tilespmem:v4+s14+$0x0], $0xffff  }
0x34d: {  	v4 =	vld.idx.msk [tilespmem:v4+s15+$0x0], $0xffff;
	[tilespmem:s1+$0xF0] =	vst v8  }
0x34e: {  	v15 =	vadd.s32 v1, v6;
	v6 =	vld.idx.msk [tilespmem:v5+s12+$0x0], $0xffff;
	[tilespmem:s1+$0x80] =	vst v7  }
0x34f: {  	v60 =	vld.idx.msk [tilespmem:v5+s13+$0x0], $0xffff;
	[tilespmem:s1+$0x90] =	vst v9  }
0x350: {  	v61 =	vld.idx.msk [tilespmem:v5+s14+$0x0], $0xffff;
	[tilespmem:s1+$0xA0] =	vst v11  }
0x351: {  	v62 =	vld.idx.msk [tilespmem:v5+s15+$0x0], $0xffff;
	[tilespmem:s1+$0xB0] =	vst v59  }
0x352: {  	v8 =	vld.idx.msk [tilespmem:v5+s8+$0x0], $0xffff;
	[tilespmem:s1+$0xC0] =	vst v13  }
0x353: {  	v7 =	vld.idx.msk [tilespmem:v5+s10+$0x0], $0xffff;
	[tilespmem:s1+$0xD0] =	vst v14  }
0x354: {  	v9 =	vld.idx.msk [tilespmem:v5+s11+$0x0], $0xffff;
	[tilespmem:s1+$0xE0] =	vst v4  }
0x355: {  	v4 =	vld.idx.msk [tilespmem:v5+s16+$0x0], $0xffff;
	[tilespmem:s1+$0xFFFFFF30] =	vst v6  }
0x356: {  	v16 =	vld.idx.msk [tilespmem:v15+s8+$0x0], $0xffff;
	[tilespmem:s1+$0xFFFFFF40] =	vst v60  }
0x357: {  	v63 =	vperm.xlane v10, v3;
	v10 =	vld.idx.msk [tilespmem:v15+s15+$0x0], $0xffff;
	[tilespmem:s1+$0xFFFFFF50] =	vst v61  }
0x358: {  	v11 =	vld.idx.msk [tilespmem:v15+s10+$0x0], $0xffff;
	[tilespmem:s1+$0xFFFFFF60] =	vst v62  }
0x359: {  	v6 =	vld.idx.msk [tilespmem:v15+s12+$0x0], $0xffff;
	[tilespmem:s1+$0xFFFFFF00] =	vst v8  }
0x35a: {  	[tilespmem:s1+$0xFFFFFF10] =	vst v7;
	v8 =	vld.idx.msk [tilespmem:v15+s11+$0x0], $0xffff  }
0x35b: {  	v5 =	vld.idx.msk [tilespmem:v15+s16+$0x0], $0xffff;
	[tilespmem:s1+$0xFFFFFF20] =	vst v9  }
0x35c: {  	v7 =	vld.idx.msk [tilespmem:v15+s13+$0x0], $0xffff;
	[tilespmem:s1+$0xFFFFFF70] =	vst v4  }
0x35d: {  	s0 =	sor.u32 $0x1, s0;
	s3 =	sadd.s32 $0x4, s17;
	s2 =	simm.s32 $0x0;
	v9 =	vld.idx.msk [tilespmem:v15+s14+$0x0], $0xffff;
	v4 =	vadd.s32 v1, v63;
	[tilespmem:s1+$0xFFFFFF80] =	vst v16  }
.LBB2_7:
0x35e: {  	v12 =	vld [tilespmem:s3+$0x0];
	[tilespmem:s1+$0xFFFFFF90] =	vst v11  }
0x35f: {  	s2 =	sadd.s32 $0x4, s2;
	v11 =	vld [tilespmem:s3+$0xFFFFFFFE];
	[tilespmem:s1+$0xFFFFFFA0] =	vst v8  }
0x360: {  	p0 =	slt.u32 s2, $0x7C;
	v8 =	vld [tilespmem:s3+$0xFFFFFFFF];
	[tilespmem:s1+$0xFFFFFFB0] =	vst v6  }
0x361: {  	v6 =	vld [tilespmem:s3+$0xFFFFFFFD];
	[tilespmem:s1+$0xFFFFFFC0] =	vst v7  }
0x362: {  	[tilespmem:s1+$0xFFFFFFD0] =	vst v9;
	v7 =	vld.idx.msk [tilespmem:v4+s8+$0x0], $0xffff  }
0x363: {  	v9 =	vperm.xlane v12, v3;
	[tilespmem:s1+$0xFFFFFFE0] =	vst v10;
	v10 =	vld.idx.msk [tilespmem:v4+s10+$0x0], $0xffff  }
0x364: {  	v11 =	vperm.xlane v11, v3;
	[tilespmem:s1+$0xFFFFFFF0] =	vst v5;
	v5 =	vld.idx.msk [tilespmem:v4+s11+$0x0], $0xffff  }
0x365: {  	v8 =	vperm.xlane v8, v3;
	v9 =	vadd.s32 v1, v9;
	v12 =	vld.idx.msk [tilespmem:v4+s12+$0x0], $0xffff  }
0x366: {  	v6 =	vperm.xlane v6, v3;
	v13 =	vadd.s32 v1, v11;
	v11 =	vld.idx.msk [tilespmem:v4+s13+$0x0], $0xffff  }
0x367: {  	v8 =	vadd.s32 v1, v8;
	v14 =	vld.idx.msk [tilespmem:v4+s14+$0x0], $0xffff  }
0x368: {  	v6 =	vadd.s32 v1, v6;
	v15 =	vld.idx.msk [tilespmem:v4+s15+$0x0], $0xffff  }
0x369: {  	v16 =	vld.idx.msk [tilespmem:v4+s16+$0x0], $0xffff;
	[tilespmem:s1+$0x0] =	vst v7;
	v4 =	vmov v8  }
0x36a: {  	v7 =	vld.idx.msk [tilespmem:v9+s8+$0x0], $0xffff;
	[tilespmem:s1+$0x10] =	vst v10  }
0x36b: {  	v8 =	vld.idx.msk [tilespmem:v9+s16+$0x0], $0xffff;
	[tilespmem:s1+$0x20] =	vst v5  }
0x36c: {  	v5 =	vld.idx.msk [tilespmem:v9+s10+$0x0], $0xffff;
	[tilespmem:s1+$0x30] =	vst v12  }
0x36d: {  	v10 =	vld.idx.msk [tilespmem:v9+s11+$0x0], $0xffff;
	[tilespmem:s1+$0x40] =	vst v11  }
0x36e: {  	v11 =	vld.idx.msk [tilespmem:v9+s12+$0x0], $0xffff;
	[tilespmem:s1+$0x50] =	vst v14  }
0x36f: {  	v12 =	vld.idx.msk [tilespmem:v9+s13+$0x0], $0xffff;
	[tilespmem:s1+$0x60] =	vst v15  }
0x370: {  	v14 =	vld.idx.msk [tilespmem:v9+s14+$0x0], $0xffff;
	[tilespmem:s1+$0x70] =	vst v16;
	s1 =	sadd.s32 $0x200, s1  }
0x371: {  	v9 =	vld.idx.msk [tilespmem:v9+s15+$0x0], $0xffff;
	[tilespmem:s1+$0xF0] =	vst v8  }
0x372: {  	v8 =	vld.idx.msk [tilespmem:v6+s8+$0x0], $0xffff;
	[tilespmem:s1+$0x80] =	vst v7  }
0x373: {  	v7 =	vld.idx.msk [tilespmem:v6+s10+$0x0], $0xffff;
	[tilespmem:s1+$0x90] =	vst v5  }
0x374: {  	v5 =	vld.idx.msk [tilespmem:v6+s11+$0x0], $0xffff;
	[tilespmem:s1+$0xA0] =	vst v10  }
0x375: {  	v10 =	vld.idx.msk [tilespmem:v6+s12+$0x0], $0xffff;
	[tilespmem:s1+$0xB0] =	vst v11  }
0x376: {  	v15 =	vld.idx.msk [tilespmem:v6+s13+$0x0], $0xffff;
	[tilespmem:s1+$0xC0] =	vst v12  }
0x377: {  	v12 =	vld.idx.msk [tilespmem:v6+s14+$0x0], $0xffff;
	[tilespmem:s1+$0xD0] =	vst v14  }
0x378: {  	v14 =	vld.idx.msk [tilespmem:v6+s15+$0x0], $0xffff;
	[tilespmem:s1+$0xE0] =	vst v9  }
0x379: {  	v16 =	vld.idx.msk [tilespmem:v6+s16+$0x0], $0xffff;
	[tilespmem:s1+$0xFFFFFF00] =	vst v8  }
0x37a: {  	[tilespmem:s1+$0xFFFFFF10] =	vst v7;
	v17 =	vld.idx.msk [tilespmem:v13+s8+$0x0], $0xffff  }
0x37b: {  	[tilespmem:s1+$0xFFFFFF20] =	vst v5;
	v11 =	vld.idx.msk [tilespmem:v13+s10+$0x0], $0xffff  }
0x37c: {  	[tilespmem:s1+$0xFFFFFF30] =	vst v10;
	v8 =	vld.idx.msk [tilespmem:v13+s11+$0x0], $0xffff  }
.Ltmp2:
0x37d: {  	[tilespmem:s1+$0xFFFFFF40] =	vst v15;
	v6 =	vld.idx.msk [tilespmem:v13+s12+$0x0], $0xffff;
	(pc) =	sbr.rel @p0 .LBB2_7-.Ltmp2, $4  }
0x37e: {  	[tilespmem:s1+$0xFFFFFF50] =	vst v12;
	v7 =	vld.idx.msk [tilespmem:v13+s13+$0x0], $0xffff  }
0x37f: {  	[tilespmem:s1+$0xFFFFFF60] =	vst v14;
	v9 =	vld.idx.msk [tilespmem:v13+s14+$0x0], $0xffff  }
0x380: {  	[tilespmem:s1+$0xFFFFFF70] =	vst v16;
	v10 =	vld.idx.msk [tilespmem:v13+s15+$0x0], $0xffff  }
0x381: {  	s3 =	sadd.s32 $0x4, s3;
	v5 =	vld.idx.msk [tilespmem:v13+s16+$0x0], $0xffff;
	[tilespmem:s1+$0xFFFFFF80] =	vst v17  }
0x382: {  	_ =	sdelay $0x3  }
0x383: {  	v12 =	vld.idx.msk [tilespmem:v4+s8+$0x0], $0xffff;
	[tilespmem:s1+$0xFFFFFF90] =	vst v11  }
0x384: {  	v58 =	vld.idx.msk [tilespmem:v4+s10+$0x0], $0xffff;
	[tilespmem:s1+$0xFFFFFFA0] =	vst v8  }
0x385: {  	v59 =	vld.idx.msk [tilespmem:v4+s11+$0x0], $0xffff;
	[tilespmem:s1+$0xFFFFFFB0] =	vst v6  }
0x386: {  	v60 =	vld.idx.msk [tilespmem:v4+s12+$0x0], $0xffff;
	[tilespmem:s1+$0xFFFFFFC0] =	vst v7  }
0x387: {  	v61 =	vld.idx.msk [tilespmem:v4+s13+$0x0], $0xffff;
	[tilespmem:s1+$0xFFFFFFD0] =	vst v9  }
0x388: {  	v62 =	vld.idx.msk [tilespmem:v4+s14+$0x0], $0xffff;
	[tilespmem:s1+$0xFFFFFFE0] =	vst v10  }
0x389: {  	v63 =	vld.idx.msk [tilespmem:v4+s15+$0x0], $0xffff;
	[tilespmem:s1+$0xFFFFFFF0] =	vst v5  }
0x38a: {  	v4 =	vld.idx.msk [tilespmem:v4+s16+$0x0], $0xffff;
	[tilespmem:s1+$0x0] =	vst v12  }
0x38b: {  	[tilespmem:s1+$0x10] =	vst v58  }
0x38c: {  	s19 =	sadd.s32 $0x1, s19;
	[tilespmem:s1+$0x20] =	vst v59  }
0x38d: {  	p0 =	sne.s32 s19, $0x19;
	[tilespmem:s1+$0x30] =	vst v60  }
.Ltmp3:
0x38e: {  	s0 =	sshll.u32 s0, $0xE;
	[tilespmem:s1+$0x40] =	vst v61;
	(pc) =	sbr.rel @p0 .LBB2_4-.Ltmp3, $4  }
0x38f: {  	s0 =	sadd.s32 s6, s0;
	[tilespmem:s1+$0x50] =	vst v62  }
0x390: {  	s0 =	sshrl.u32 s0, $0x3;
	[tilespmem:s1+$0x60] =	vst v63  }
0x391: {  	s18 =	sadd.s32 $0x100, s18;
	s17 =	sadd.s32 $0x100, s17;
	s0 =	sadd.s32 s4, s0;
	[tilespmem:s1+$0x70] =	vst v4  }
0x392: {  	[hbm4b:s0+s5] =	stream.linear.scatter [tilespmem:s9], [sflag:$0x2], $0x4000, $0x38;
	[tilespmem:$0xFD80] =	vst v63  }
0x393: {  	s0 =	simm.s32 $0x1  }
0x394: {  	_ =	swait.ge [sflag:s0], $0x4000  }
0x395: {  	[sflag:s0] =	ssyncset.done $0x0  }
0x396: {  	s1 =	simm.s32 $0x2;
	[sflag:s0] =	ssyncadd.s32 $0xFFFFC000  }
0x397: {  	_ =	swait.ge [sflag:s1], $0x4000  }
0x398: {  	s2 =	sld [smem:$0x774]  }
0x399: {  	s31 =	sld [smem:$0x7FC];
	_ =	sdelay $0x1  }
0x39a: {  	s2 =	sadd.s32 $0x1, s2  }
0x39b: {  	p0 =	sne.s32 s2, s31  }
.Ltmp4:
0x39c: {  	_ = 	snop;
	(pc) =	sbr.rel @p0 .LBB2_1-.Ltmp4, $3  }
0x39d: {  	_ =	sdelay $0x1  }
0x39e: {  	[sflag:s1] =	ssyncset.done $0x0  }
0x39f: {  	[sflag:s1] =	ssyncadd.s32 $0xFFFFC000  }
0x3a0: {  	_ =	sfence.sel $0x180000  }
0x3a1: {  	[bflag:$0x0] =	sbarrier.arrive $0xFFFF  }
0x3a2: {  	_ =	strace $0x90000047  }
0x3a3: {  	s0 =	stileid.u32;
	[bflag:$0x2] =	sbarrier.arrive $0xFFFF  }
0x3a4: {  	p0 =	sne.s32 s0, $0x0;
	s0 =	rddreg [dreg:$0x3]  }
0x3a5: {  	s0 =	sadd.s32 @!p0 $0x100000, s0  }
0x3a6: {  	[sflag:s0] =	ssyncadd.tile.s32 @!p0 $0x1;
	_ =	shalt  }
.Lfunc_end2:
_tile_overlayer_lowered:
.L_overlay_start_2:
0x3a7: {  	(tag) =	ssettag $0x2  }
0x3a8: {  	s0 =	rddreg [dreg:$0x0];
	s2 =	stileid.u32  }
0x3a9: {  	s1 =	rddreg [dreg:$0x1];
	p0 =	sne.s32 s2, $0x0  }
0x3aa: {  	s3 =	rddreg [dreg:$0x2];
	[bflag:$0x3] =	sbarrier.arrive $0xFFFF;
	s2 =	simm.s32 @!p0 $0x1C03  }
0x3ab: {  	[timem:s3], [sflag:s2] =	dma.local @!p0 [hbm:s0], s1  }
0x3ac: {  	s0 =	simm.s32 @!p0 $0x3  }
0x3ad: {  	_ =	swait.ge @!p0 [sflag:s0], s1  }
0x3ae: {  	s1 =	ssub.s32 @!p0 $0x0, s1;
	[sflag:s0] =	ssyncset.done @!p0 $0x0  }
0x3af: {  	[sflag:s0] =	ssyncadd.s32 @!p0 s1  }
0x3b0: {  	[bflag:$0x3] =	sbarrier.arrive $0xFFFF  }
0x3b1: {  	_ =	shalt  }

</sc_bundles>
